<compile_context>
chip_gen: v7x
topology: tpu7x:2x2x1
jax: 0.10.2.dev20260603
libtpu: 0.0.44.dev20260713+nightly
codegen_flags: <defaults>
</compile_context>

<pallas_src>
import functools

import jax
import jax.numpy as jnp
from jax import lax
from jax.experimental import pallas as pl
from jax.experimental.pallas import tpu as pltpu
from jax.experimental.pallas import tpu_sc as plsc

_D = 64
_SUB = 128
_K = 2
_CHUNK = _SUB * _K
_NBUF = 2


def _body(n_pairs, n_workers, table_hbm, idxy_hbm, idxx_hbm, out_hbm,
          table_sh, idxy_v, idxx_v, ybuf, xbuf, sem_tab, sem_idx, sem_gat,
          sem_out):
    pairs_per_w = n_pairs // n_workers
    n_chunks = pairs_per_w // _CHUNK
    cid = lax.axis_index("c")
    sid = lax.axis_index("s")
    wid = sid * 2 + cid
    base_w = wid * pairs_per_w

    @pl.when(sid == 0)
    def _():
        pltpu.async_copy(table_hbm, table_sh, sem_tab).wait()
    plsc.subcore_barrier()

    def idx_srcs(i):
        r0 = (base_w + i * _CHUNK) // _SUB
        return idxy_hbm.at[pl.ds(r0, _K)], idxx_hbm.at[pl.ds(r0, _K)]

    def out_dst_y(i):
        return out_hbm.at[pl.ds(base_w + i * _CHUNK, _CHUNK), pl.ds(0, _D)]

    def out_dst_x(i):
        return out_hbm.at[pl.ds(base_w + i * _CHUNK, _CHUNK), pl.ds(_D, _D)]

    def start_idx(i, slot):
        ysrc, xsrc = idx_srcs(i)
        pltpu.async_copy(ysrc, idxy_v.at[slot], sem_idx.at[slot])
        pltpu.async_copy(xsrc, idxx_v.at[slot], sem_idx.at[slot])

    def wait_idx(i, slot):
        ysrc, xsrc = idx_srcs(i)
        pltpu.make_async_copy(ysrc, idxy_v.at[slot], sem_idx.at[slot]).wait()
        pltpu.make_async_copy(xsrc, idxx_v.at[slot], sem_idx.at[slot]).wait()

    start_idx(0, 0)

    def body(i, _):
        b = lax.rem(i, _NBUF)
        nb = lax.rem(i + 1, _NBUF)
        wait_idx(i, b)
        start_idx(lax.min(i + 1, n_chunks - 1), nb)

        @pl.when(i >= _NBUF)
        def _():
            pltpu.make_async_copy(ybuf.at[b], out_dst_y(i), sem_out.at[b]).wait()
            pltpu.make_async_copy(xbuf.at[b], out_dst_x(i), sem_out.at[b]).wait()

        for j in range(_K):
            rs = pl.ds(j * _SUB, _SUB)
            pltpu.async_copy(table_sh.at[idxy_v.at[b, j]],
                             ybuf.at[b, rs], sem_gat)
            pltpu.async_copy(table_sh.at[idxx_v.at[b, j]],
                             xbuf.at[b, rs], sem_gat)
        for j in range(_K):
            rs = pl.ds(j * _SUB, _SUB)
            pltpu.make_async_copy(table_sh.at[idxy_v.at[b, j]],
                                  ybuf.at[b, rs], sem_gat).wait()
            pltpu.make_async_copy(table_sh.at[idxx_v.at[b, j]],
                                  xbuf.at[b, rs], sem_gat).wait()

        pltpu.async_copy(ybuf.at[b], out_dst_y(i), sem_out.at[b])
        pltpu.async_copy(xbuf.at[b], out_dst_x(i), sem_out.at[b])
        return ()

    lax.fori_loop(0, n_chunks, body, ())

    wait_idx(n_chunks - 1, n_chunks % _NBUF)
    for b in range(_NBUF):
        pltpu.make_async_copy(ybuf.at[b], out_dst_y(0), sem_out.at[b]).wait()
        pltpu.make_async_copy(xbuf.at[b], out_dst_x(0), sem_out.at[b]).wait()


def kernel(pe, coords):
    B, S, _ = coords.shape
    n_pairs = B * S
    idx_y = coords[..., 1].reshape(n_pairs // _SUB, _SUB).astype(jnp.int32)
    idx_x = coords[..., 0].reshape(n_pairs // _SUB, _SUB).astype(jnp.int32)

    n_workers = 32

    mesh = plsc.VectorSubcoreMesh(core_axis_name="c", subcore_axis_name="s")
    run = pl.kernel(
        functools.partial(_body, n_pairs, n_workers),
        out_type=jax.ShapeDtypeStruct((n_pairs, 2 * _D), jnp.float32),
        mesh=mesh,
        scratch_types=[
            pltpu.VMEM_SHARED((500, _D), jnp.float32),
            pltpu.VMEM((_NBUF, _K, _SUB), jnp.int32),
            pltpu.VMEM((_NBUF, _K, _SUB), jnp.int32),
            pltpu.VMEM((_NBUF, _CHUNK, _D), jnp.float32),
            pltpu.VMEM((_NBUF, _CHUNK, _D), jnp.float32),
            pltpu.SemaphoreType.DMA,
            pltpu.SemaphoreType.DMA((_NBUF,)),
            pltpu.SemaphoreType.DMA,
            pltpu.SemaphoreType.DMA((_NBUF,)),
        ],
        compiler_params=pltpu.CompilerParams(use_tc_tiling_on_sc=False),
    )
    out = run(pe, idx_y, idx_x)
    return out.reshape(B, S, 2 * _D)

# --- scband reference (transcript-rebuilt; emitter-appended) ---
"""Pipeline reference for scband-positional-embedding-30459908063854 (READ-ONLY COPY).

The authoritative reference and input builder live on the scoring server;
editing this copy changes nothing except your own understanding.
"""

import jax, jax.numpy as jnp
import numpy as np
from math import log

EMBED_DIM = 128
MAX_LEN = 500


def _build_pe(embed_dim: int, max_len: int) -> jnp.ndarray:
    position = np.arange(max_len, dtype=np.float32)
    dim = embed_dim // 2
    div_term = np.exp(np.arange(0, dim, 2, dtype=np.float32) * (-log(10000.0) / dim))
    out = np.outer(position, div_term)
    pe_sin = np.sin(out)
    pe_cos = np.cos(out)
    pe = np.concatenate((pe_sin, pe_cos), axis=1)
    return jnp.asarray(pe, dtype=jnp.float32)


def setup_inputs(seed: int = 0) -> dict:
    key = jax.random.key(seed)
    k_coords = jax.random.fold_in(key, 1)
    coords = jax.random.randint(k_coords, (4096, 200, 2), 0, MAX_LEN, dtype=jnp.int64 if jax.config.jax_enable_x64 else jnp.int32)
    pe = _build_pe(EMBED_DIM, MAX_LEN)
    return {"pe": pe, "coords": coords}


def reference(pe, coords):
    x_embed = jnp.take(pe, coords[..., 0], axis=0)
    y_embed = jnp.take(pe, coords[..., 1], axis=0)
    return jnp.concatenate((y_embed, x_embed), axis=-1)

if __name__ == "__main__":
    import jax
    _d = setup_inputs()
    print(jax.jit(kernel)(*tuple(_d.values())))

</pallas_src>

<mosaic_0001>
#map = affine_map<(d0, d1) -> (0, 0)>
module attributes {stable_mosaic.version = 14 : i64} {
  func.func @_body(%arg0: i32, %arg1: i32, %arg2: memref<500x64xf32, #tpu.memory_space<hbm>>, %arg3: memref<6400x128xi32, #tpu.memory_space<hbm>>, %arg4: memref<6400x128xi32, #tpu.memory_space<hbm>>, %arg5: memref<819200x128xf32, #tpu.memory_space<hbm>>, %arg6: memref<500x64xf32, #tpu.memory_space<vmem_shared>>, %arg7: memref<2x2x128xi32, #tpu.memory_space<vmem>>, %arg8: memref<2x2x128xi32, #tpu.memory_space<vmem>>, %arg9: memref<2x256x64xf32, #tpu.memory_space<vmem>>, %arg10: memref<2x256x64xf32, #tpu.memory_space<vmem>>, %arg11: memref<!tpu.dma_semaphore, #tpu.memory_space<semaphore_mem>>, %arg12: memref<2x!tpu.dma_semaphore, #tpu.memory_space<semaphore_mem>>, %arg13: memref<!tpu.dma_semaphore, #tpu.memory_space<semaphore_mem>>, %arg14: memref<2x!tpu.dma_semaphore, #tpu.memory_space<semaphore_mem>>) attributes {dimension_semantics = [#tpu.dimension_semantics<core_parallel>, #tpu.dimension_semantics<subcore_parallel>], iteration_bounds = array<i64: 2, 16>, scalar_prefetch = 0 : i64, scratch_operands = 9 : i64, tpu.core_type = #tpu.core_type<sc_vector_subcore>, window_params = [{transform_indices = #map}, {transform_indices = #map}, {transform_indices = #map}, {transform_indices = #map}]} {
    %mul3A = arith.constant 2 : i32
    %mul3A_0 = arith.muli %arg1, %mul3A : i32
    %add3A = arith.addi %mul3A_0, %arg0 : i32
    %mul3A_1 = arith.constant 25600 : i32
    %mul3A_2 = arith.muli %add3A, %mul3A_1 : i32
    %eq3A = arith.constant 0 : i32
    %eq3A_3 = arith.cmpi eq, %arg1, %eq3A : i32
    %convert_element_type3A = arith.extui %eq3A_3 : i1 to i32
    %cond3A = arith.constant 0 : i32
    %cond3A_4 = arith.cmpi ne, %convert_element_type3A, %cond3A : i32
    scf.if %cond3A_4 {
      tpu.enqueue_dma source(%arg2 : memref<500x64xf32, #tpu.memory_space<hbm>>) target(%arg6 : memref<500x64xf32, #tpu.memory_space<vmem_shared>>) target_semaphore(%arg11 : memref<!tpu.dma_semaphore, #tpu.memory_space<semaphore_mem>>)
      tpu.wait_dma2 semaphore(%arg11 : memref<!tpu.dma_semaphore, #tpu.memory_space<semaphore_mem>>) src(%arg2 : memref<500x64xf32, #tpu.memory_space<hbm>>) dst(%arg6 : memref<500x64xf32, #tpu.memory_space<vmem_shared>>)
    } else {
    }
    %barrier3A = arith.constant 0 : index
    tpu.barrier barrier_id(%barrier3A)
    %add3A_5 = arith.constant 0 : i32
    %add3A_6 = arith.addi %mul3A_2, %add3A_5 : i32
    %jit3A = arith.constant 128 : i32
    %div3A = arith.divsi %add3A_6, %jit3A : i32
    %sign3A = arith.constant 0 : i32
    %sign3A_7 = arith.cmpi sgt, %add3A_6, %sign3A : i32
    %sign3A_8 = arith.extui %sign3A_7 : i1 to i32
    %sign3A_9 = arith.constant 0 : i32
    %sign3A_10 = arith.cmpi slt, %add3A_6, %sign3A_9 : i32
    %sign3A_11 = arith.extui %sign3A_10 : i1 to i32
    %sign3A_12 = arith.subi %sign3A_8, %sign3A_11 : i32
    %sign3A_13 = arith.constant 0 : i32
    %sign3A_14 = arith.cmpi sgt, %jit3A, %sign3A_13 : i32
    %sign3A_15 = arith.extui %sign3A_14 : i1 to i32
    %sign3A_16 = arith.constant 0 : i32
    %sign3A_17 = arith.cmpi slt, %jit3A, %sign3A_16 : i32
    %sign3A_18 = arith.extui %sign3A_17 : i1 to i32
    %sign3A_19 = arith.subi %sign3A_15, %sign3A_18 : i32
    %ne3A = arith.cmpi ne, %sign3A_12, %sign3A_19 : i32
    %rem3A = arith.remsi %add3A_6, %jit3A : i32
    %ne3A_20 = arith.constant 0 : i32
    %ne3A_21 = arith.cmpi ne, %rem3A, %ne3A_20 : i32
    %and3A = arith.andi %ne3A, %ne3A_21 : i1
    %sub3A = arith.constant 1 : i32
    %sub3A_22 = arith.subi %div3A, %sub3A : i32
    %select_n3A = arith.select %and3A, %sub3A_22, %div3A : i32
    %dma_start3A = arith.constant 0 : i32
    %dma_start3A_23 = arith.constant 0 : i32
    %dma_start3A_24 = arith.constant 0 : i32
    %dma_start3A_25 = arith.constant 0 : i32
    %dma_start3A_26 = tpu.memref_slice %arg7[%dma_start3A, %dma_start3A_24, %dma_start3A_25] : memref<2x2x128xi32, #tpu.memory_space<vmem>> -> memref<1x2x128xi32, #tpu.memory_space<vmem>>
    %dma_start3A_27 = tpu.memref_squeeze %dma_start3A_26 : memref<1x2x128xi32, #tpu.memory_space<vmem>> -> memref<2x128xi32, #tpu.memory_space<vmem>>
    %dma_start3A_28 = arith.constant 0 : i32
    %dma_start3A_29 = tpu.memref_slice %arg3[%select_n3A, %dma_start3A_28] : memref<6400x128xi32, #tpu.memory_space<hbm>> -> memref<2x128xi32, #tpu.memory_space<hbm>>
    %dma_start3A_30 = tpu.memref_slice %arg12[%dma_start3A_23] : memref<2x!tpu.dma_semaphore, #tpu.memory_space<semaphore_mem>> -> memref<1x!tpu.dma_semaphore, #tpu.memory_space<semaphore_mem>>
    %dma_start3A_31 = tpu.memref_squeeze %dma_start3A_30 : memref<1x!tpu.dma_semaphore, #tpu.memory_space<semaphore_mem>> -> memref<!tpu.dma_semaphore, #tpu.memory_space<semaphore_mem>>
    %dma_start3A_32 = arith.constant 0 : i32
    %dma_start3A_33 = arith.constant 0 : i32
    %dma_start3A_34 = tpu.memref_slice %arg7[%dma_start3A, %dma_start3A_32, %dma_start3A_33] : memref<2x2x128xi32, #tpu.memory_space<vmem>> -> memref<1x2x128xi32, #tpu.memory_space<vmem>>
    %dma_start3A_35 = tpu.memref_squeeze %dma_start3A_34 : memref<1x2x128xi32, #tpu.memory_space<vmem>> -> memref<2x128xi32, #tpu.memory_space<vmem>>
    %dma_start3A_36 = arith.constant 0 : i32
    %dma_start3A_37 = tpu.memref_slice %arg3[%select_n3A, %dma_start3A_36] : memref<6400x128xi32, #tpu.memory_space<hbm>> -> memref<2x128xi32, #tpu.memory_space<hbm>>
    tpu.enqueue_dma source(%dma_start3A_37 : memref<2x128xi32, #tpu.memory_space<hbm>>) target(%dma_start3A_35 : memref<2x128xi32, #tpu.memory_space<vmem>>) target_semaphore(%dma_start3A_31 : memref<!tpu.dma_semaphore, #tpu.memory_space<semaphore_mem>>)
    %dma_start3A_38 = arith.constant 0 : i32
    %dma_start3A_39 = arith.constant 0 : i32
    %dma_start3A_40 = arith.constant 0 : i32
    %dma_start3A_41 = arith.constant 0 : i32
    %dma_start3A_42 = tpu.memref_slice %arg8[%dma_start3A_38, %dma_start3A_40, %dma_start3A_41] : memref<2x2x128xi32, #tpu.memory_space<vmem>> -> memref<1x2x128xi32, #tpu.memory_space<vmem>>
    %dma_start3A_43 = tpu.memref_squeeze %dma_start3A_42 : memref<1x2x128xi32, #tpu.memory_space<vmem>> -> memref<2x128xi32, #tpu.memory_space<vmem>>
    %dma_start3A_44 = arith.constant 0 : i32
    %dma_start3A_45 = tpu.memref_slice %arg4[%select_n3A, %dma_start3A_44] : memref<6400x128xi32, #tpu.memory_space<hbm>> -> memref<2x128xi32, #tpu.memory_space<hbm>>
    %dma_start3A_46 = tpu.memref_slice %arg12[%dma_start3A_39] : memref<2x!tpu.dma_semaphore, #tpu.memory_space<semaphore_mem>> -> memref<1x!tpu.dma_semaphore, #tpu.memory_space<semaphore_mem>>
    %dma_start3A_47 = tpu.memref_squeeze %dma_start3A_46 : memref<1x!tpu.dma_semaphore, #tpu.memory_space<semaphore_mem>> -> memref<!tpu.dma_semaphore, #tpu.memory_space<semaphore_mem>>
    %dma_start3A_48 = arith.constant 0 : i32
    %dma_start3A_49 = arith.constant 0 : i32
    %dma_start3A_50 = tpu.memref_slice %arg8[%dma_start3A_38, %dma_start3A_48, %dma_start3A_49] : memref<2x2x128xi32, #tpu.memory_space<vmem>> -> memref<1x2x128xi32, #tpu.memory_space<vmem>>
    %dma_start3A_51 = tpu.memref_squeeze %dma_start3A_50 : memref<1x2x128xi32, #tpu.memory_space<vmem>> -> memref<2x128xi32, #tpu.memory_space<vmem>>
    %dma_start3A_52 = arith.constant 0 : i32
    %dma_start3A_53 = tpu.memref_slice %arg4[%select_n3A, %dma_start3A_52] : memref<6400x128xi32, #tpu.memory_space<hbm>> -> memref<2x128xi32, #tpu.memory_space<hbm>>
    tpu.enqueue_dma source(%dma_start3A_53 : memref<2x128xi32, #tpu.memory_space<hbm>>) target(%dma_start3A_51 : memref<2x128xi32, #tpu.memory_space<vmem>>) target_semaphore(%dma_start3A_47 : memref<!tpu.dma_semaphore, #tpu.memory_space<semaphore_mem>>)
    %scan3A = arith.constant 0 : i32
    %scan3A_54 = arith.constant 100 : i32
    %scan3A_55 = arith.addi %scan3A, %scan3A_54 : i32
    %scan3A_56 = arith.constant 1 : i32
    scf.for %scan3A_187 = %scan3A to %scan3A_55 step %scan3A_56  : i32 {
      %rem3A_188 = arith.constant 2 : i32
      %rem3A_189 = arith.remsi %scan3A_187, %rem3A_188 : i32
      %add3A_190 = arith.constant 1 : i32
      %add3A_191 = arith.addi %scan3A_187, %add3A_190 : i32
      %rem3A_192 = arith.constant 2 : i32
      %rem3A_193 = arith.remsi %add3A_191, %rem3A_192 : i32
      %mul3A_194 = arith.constant 256 : i32
      %mul3A_195 = arith.muli %scan3A_187, %mul3A_194 : i32
      %add3A_196 = arith.addi %mul3A_2, %mul3A_195 : i32
      %jit3A_197 = arith.constant 128 : i32
      %div3A_198 = arith.divsi %add3A_196, %jit3A_197 : i32
      %sign3A_199 = arith.constant 0 : i32
      %sign3A_200 = arith.cmpi sgt, %add3A_196, %sign3A_199 : i32
      %sign3A_201 = arith.extui %sign3A_200 : i1 to i32
      %sign3A_202 = arith.constant 0 : i32
      %sign3A_203 = arith.cmpi slt, %add3A_196, %sign3A_202 : i32
      %sign3A_204 = arith.extui %sign3A_203 : i1 to i32
      %sign3A_205 = arith.subi %sign3A_201, %sign3A_204 : i32
      %sign3A_206 = arith.constant 0 : i32
      %sign3A_207 = arith.cmpi sgt, %jit3A_197, %sign3A_206 : i32
      %sign3A_208 = arith.extui %sign3A_207 : i1 to i32
      %sign3A_209 = arith.constant 0 : i32
      %sign3A_210 = arith.cmpi slt, %jit3A_197, %sign3A_209 : i32
      %sign3A_211 = arith.extui %sign3A_210 : i1 to i32
      %sign3A_212 = arith.subi %sign3A_208, %sign3A_211 : i32
      %ne3A_213 = arith.cmpi ne, %sign3A_205, %sign3A_212 : i32
      %rem3A_214 = arith.remsi %add3A_196, %jit3A_197 : i32
      %ne3A_215 = arith.constant 0 : i32
      %ne3A_216 = arith.cmpi ne, %rem3A_214, %ne3A_215 : i32
      %and3A_217 = arith.andi %ne3A_213, %ne3A_216 : i1
      %sub3A_218 = arith.constant 1 : i32
      %sub3A_219 = arith.subi %div3A_198, %sub3A_218 : i32
      %select_n3A_220 = arith.select %and3A_217, %sub3A_219, %div3A_198 : i32
      %dma_wait3A_221 = arith.constant 0 : i32
      %dma_wait3A_222 = arith.constant 0 : i32
      %dma_wait3A_223 = tpu.memref_slice %arg7[%rem3A_189, %dma_wait3A_221, %dma_wait3A_222] : memref<2x2x128xi32, #tpu.memory_space<vmem>> -> memref<1x2x128xi32, #tpu.memory_space<vmem>>
      %dma_wait3A_224 = tpu.memref_squeeze %dma_wait3A_223 : memref<1x2x128xi32, #tpu.memory_space<vmem>> -> memref<2x128xi32, #tpu.memory_space<vmem>>
      %dma_wait3A_225 = arith.constant 0 : i32
      %dma_wait3A_226 = tpu.memref_slice %arg3[%select_n3A_220, %dma_wait3A_225] : memref<6400x128xi32, #tpu.memory_space<hbm>> -> memref<2x128xi32, #tpu.memory_space<hbm>>
      %dma_wait3A_227 = tpu.memref_slice %arg12[%rem3A_189] : memref<2x!tpu.dma_semaphore, #tpu.memory_space<semaphore_mem>> -> memref<1x!tpu.dma_semaphore, #tpu.memory_space<semaphore_mem>>
      %dma_wait3A_228 = tpu.memref_squeeze %dma_wait3A_227 : memref<1x!tpu.dma_semaphore, #tpu.memory_space<semaphore_mem>> -> memref<!tpu.dma_semaphore, #tpu.memory_space<semaphore_mem>>
      %dma_wait3A_229 = arith.constant 0 : i32
      %dma_wait3A_230 = arith.constant 0 : i32
      %dma_wait3A_231 = tpu.memref_slice %arg7[%rem3A_189, %dma_wait3A_229, %dma_wait3A_230] : memref<2x2x128xi32, #tpu.memory_space<vmem>> -> memref<1x2x128xi32, #tpu.memory_space<vmem>>
      %dma_wait3A_232 = tpu.memref_squeeze %dma_wait3A_231 : memref<1x2x128xi32, #tpu.memory_space<vmem>> -> memref<2x128xi32, #tpu.memory_space<vmem>>
      %dma_wait3A_233 = arith.constant 0 : i32
      %dma_wait3A_234 = tpu.memref_slice %arg3[%select_n3A_220, %dma_wait3A_233] : memref<6400x128xi32, #tpu.memory_space<hbm>> -> memref<2x128xi32, #tpu.memory_space<hbm>>
      tpu.wait_dma2 semaphore(%dma_wait3A_228 : memref<!tpu.dma_semaphore, #tpu.memory_space<semaphore_mem>>) src(%dma_wait3A_234 : memref<2x128xi32, #tpu.memory_space<hbm>>) dst(%dma_wait3A_232 : memref<2x128xi32, #tpu.memory_space<vmem>>)
      %dma_wait3A_235 = arith.constant 0 : i32
      %dma_wait3A_236 = arith.constant 0 : i32
      %dma_wait3A_237 = tpu.memref_slice %arg8[%rem3A_189, %dma_wait3A_235, %dma_wait3A_236] : memref<2x2x128xi32, #tpu.memory_space<vmem>> -> memref<1x2x128xi32, #tpu.memory_space<vmem>>
      %dma_wait3A_238 = tpu.memref_squeeze %dma_wait3A_237 : memref<1x2x128xi32, #tpu.memory_space<vmem>> -> memref<2x128xi32, #tpu.memory_space<vmem>>
      %dma_wait3A_239 = arith.constant 0 : i32
      %dma_wait3A_240 = tpu.memref_slice %arg4[%select_n3A_220, %dma_wait3A_239] : memref<6400x128xi32, #tpu.memory_space<hbm>> -> memref<2x128xi32, #tpu.memory_space<hbm>>
      %dma_wait3A_241 = tpu.memref_slice %arg12[%rem3A_189] : memref<2x!tpu.dma_semaphore, #tpu.memory_space<semaphore_mem>> -> memref<1x!tpu.dma_semaphore, #tpu.memory_space<semaphore_mem>>
      %dma_wait3A_242 = tpu.memref_squeeze %dma_wait3A_241 : memref<1x!tpu.dma_semaphore, #tpu.memory_space<semaphore_mem>> -> memref<!tpu.dma_semaphore, #tpu.memory_space<semaphore_mem>>
      %dma_wait3A_243 = arith.constant 0 : i32
      %dma_wait3A_244 = arith.constant 0 : i32
      %dma_wait3A_245 = tpu.memref_slice %arg8[%rem3A_189, %dma_wait3A_243, %dma_wait3A_244] : memref<2x2x128xi32, #tpu.memory_space<vmem>> -> memref<1x2x128xi32, #tpu.memory_space<vmem>>
      %dma_wait3A_246 = tpu.memref_squeeze %dma_wait3A_245 : memref<1x2x128xi32, #tpu.memory_space<vmem>> -> memref<2x128xi32, #tpu.memory_space<vmem>>
      %dma_wait3A_247 = arith.constant 0 : i32
      %dma_wait3A_248 = tpu.memref_slice %arg4[%select_n3A_220, %dma_wait3A_247] : memref<6400x128xi32, #tpu.memory_space<hbm>> -> memref<2x128xi32, #tpu.memory_space<hbm>>
      tpu.wait_dma2 semaphore(%dma_wait3A_242 : memref<!tpu.dma_semaphore, #tpu.memory_space<semaphore_mem>>) src(%dma_wait3A_248 : memref<2x128xi32, #tpu.memory_space<hbm>>) dst(%dma_wait3A_246 : memref<2x128xi32, #tpu.memory_space<vmem>>)
      %add3A_249 = arith.constant 1 : i32
      %add3A_250 = arith.addi %scan3A_187, %add3A_249 : i32
      %min3A = arith.constant 99 : i32
      %min3A_251 = arith.minsi %add3A_250, %min3A : i32
      %mul3A_252 = arith.constant 256 : i32
      %mul3A_253 = arith.muli %min3A_251, %mul3A_252 : i32
      %add3A_254 = arith.addi %mul3A_2, %mul3A_253 : i32
      %jit3A_255 = arith.constant 128 : i32
      %div3A_256 = arith.divsi %add3A_254, %jit3A_255 : i32
      %sign3A_257 = arith.constant 0 : i32
      %sign3A_258 = arith.cmpi sgt, %add3A_254, %sign3A_257 : i32
      %sign3A_259 = arith.extui %sign3A_258 : i1 to i32
      %sign3A_260 = arith.constant 0 : i32
      %sign3A_261 = arith.cmpi slt, %add3A_254, %sign3A_260 : i32
      %sign3A_262 = arith.extui %sign3A_261 : i1 to i32
      %sign3A_263 = arith.subi %sign3A_259, %sign3A_262 : i32
      %sign3A_264 = arith.constant 0 : i32
      %sign3A_265 = arith.cmpi sgt, %jit3A_255, %sign3A_264 : i32
      %sign3A_266 = arith.extui %sign3A_265 : i1 to i32
      %sign3A_267 = arith.constant 0 : i32
      %sign3A_268 = arith.cmpi slt, %jit3A_255, %sign3A_267 : i32
      %sign3A_269 = arith.extui %sign3A_268 : i1 to i32
      %sign3A_270 = arith.subi %sign3A_266, %sign3A_269 : i32
      %ne3A_271 = arith.cmpi ne, %sign3A_263, %sign3A_270 : i32
      %rem3A_272 = arith.remsi %add3A_254, %jit3A_255 : i32
      %ne3A_273 = arith.constant 0 : i32
      %ne3A_274 = arith.cmpi ne, %rem3A_272, %ne3A_273 : i32
      %and3A_275 = arith.andi %ne3A_271, %ne3A_274 : i1
      %sub3A_276 = arith.constant 1 : i32
      %sub3A_277 = arith.subi %div3A_256, %sub3A_276 : i32
      %select_n3A_278 = arith.select %and3A_275, %sub3A_277, %div3A_256 : i32
      %dma_start3A_279 = arith.constant 0 : i32
      %dma_start3A_280 = arith.constant 0 : i32
      %dma_start3A_281 = tpu.memref_slice %arg7[%rem3A_193, %dma_start3A_279, %dma_start3A_280] : memref<2x2x128xi32, #tpu.memory_space<vmem>> -> memref<1x2x128xi32, #tpu.memory_space<vmem>>
      %dma_start3A_282 = tpu.memref_squeeze %dma_start3A_281 : memref<1x2x128xi32, #tpu.memory_space<vmem>> -> memref<2x128xi32, #tpu.memory_space<vmem>>
      %dma_start3A_283 = arith.constant 0 : i32
      %dma_start3A_284 = tpu.memref_slice %arg3[%select_n3A_278, %dma_start3A_283] : memref<6400x128xi32, #tpu.memory_space<hbm>> -> memref<2x128xi32, #tpu.memory_space<hbm>>
      %dma_start3A_285 = tpu.memref_slice %arg12[%rem3A_193] : memref<2x!tpu.dma_semaphore, #tpu.memory_space<semaphore_mem>> -> memref<1x!tpu.dma_semaphore, #tpu.memory_space<semaphore_mem>>
      %dma_start3A_286 = tpu.memref_squeeze %dma_start3A_285 : memref<1x!tpu.dma_semaphore, #tpu.memory_space<semaphore_mem>> -> memref<!tpu.dma_semaphore, #tpu.memory_space<semaphore_mem>>
      %dma_start3A_287 = arith.constant 0 : i32
      %dma_start3A_288 = arith.constant 0 : i32
      %dma_start3A_289 = tpu.memref_slice %arg7[%rem3A_193, %dma_start3A_287, %dma_start3A_288] : memref<2x2x128xi32, #tpu.memory_space<vmem>> -> memref<1x2x128xi32, #tpu.memory_space<vmem>>
      %dma_start3A_290 = tpu.memref_squeeze %dma_start3A_289 : memref<1x2x128xi32, #tpu.memory_space<vmem>> -> memref<2x128xi32, #tpu.memory_space<vmem>>
      %dma_start3A_291 = arith.constant 0 : i32
      %dma_start3A_292 = tpu.memref_slice %arg3[%select_n3A_278, %dma_start3A_291] : memref<6400x128xi32, #tpu.memory_space<hbm>> -> memref<2x128xi32, #tpu.memory_space<hbm>>
      tpu.enqueue_dma source(%dma_start3A_292 : memref<2x128xi32, #tpu.memory_space<hbm>>) target(%dma_start3A_290 : memref<2x128xi32, #tpu.memory_space<vmem>>) target_semaphore(%dma_start3A_286 : memref<!tpu.dma_semaphore, #tpu.memory_space<semaphore_mem>>)
      %dma_start3A_293 = arith.constant 0 : i32
      %dma_start3A_294 = arith.constant 0 : i32
      %dma_start3A_295 = tpu.memref_slice %arg8[%rem3A_193, %dma_start3A_293, %dma_start3A_294] : memref<2x2x128xi32, #tpu.memory_space<vmem>> -> memref<1x2x128xi32, #tpu.memory_space<vmem>>
      %dma_start3A_296 = tpu.memref_squeeze %dma_start3A_295 : memref<1x2x128xi32, #tpu.memory_space<vmem>> -> memref<2x128xi32, #tpu.memory_space<vmem>>
      %dma_start3A_297 = arith.constant 0 : i32
      %dma_start3A_298 = tpu.memref_slice %arg4[%select_n3A_278, %dma_start3A_297] : memref<6400x128xi32, #tpu.memory_space<hbm>> -> memref<2x128xi32, #tpu.memory_space<hbm>>
      %dma_start3A_299 = tpu.memref_slice %arg12[%rem3A_193] : memref<2x!tpu.dma_semaphore, #tpu.memory_space<semaphore_mem>> -> memref<1x!tpu.dma_semaphore, #tpu.memory_space<semaphore_mem>>
      %dma_start3A_300 = tpu.memref_squeeze %dma_start3A_299 : memref<1x!tpu.dma_semaphore, #tpu.memory_space<semaphore_mem>> -> memref<!tpu.dma_semaphore, #tpu.memory_space<semaphore_mem>>
      %dma_start3A_301 = arith.constant 0 : i32
      %dma_start3A_302 = arith.constant 0 : i32
      %dma_start3A_303 = tpu.memref_slice %arg8[%rem3A_193, %dma_start3A_301, %dma_start3A_302] : memref<2x2x128xi32, #tpu.memory_space<vmem>> -> memref<1x2x128xi32, #tpu.memory_space<vmem>>
      %dma_start3A_304 = tpu.memref_squeeze %dma_start3A_303 : memref<1x2x128xi32, #tpu.memory_space<vmem>> -> memref<2x128xi32, #tpu.memory_space<vmem>>
      %dma_start3A_305 = arith.constant 0 : i32
      %dma_start3A_306 = tpu.memref_slice %arg4[%select_n3A_278, %dma_start3A_305] : memref<6400x128xi32, #tpu.memory_space<hbm>> -> memref<2x128xi32, #tpu.memory_space<hbm>>
      tpu.enqueue_dma source(%dma_start3A_306 : memref<2x128xi32, #tpu.memory_space<hbm>>) target(%dma_start3A_304 : memref<2x128xi32, #tpu.memory_space<vmem>>) target_semaphore(%dma_start3A_300 : memref<!tpu.dma_semaphore, #tpu.memory_space<semaphore_mem>>)
      %ge3A = arith.constant 2 : i32
      %ge3A_307 = arith.cmpi sge, %scan3A_187, %ge3A : i32
      %convert_element_type3A_308 = arith.extui %ge3A_307 : i1 to i32
      %cond3A_309 = arith.constant 0 : i32
      %cond3A_310 = arith.cmpi ne, %convert_element_type3A_308, %cond3A_309 : i32
      scf.if %cond3A_310 {
        %mul3A_433 = arith.constant 256 : i32
        %mul3A_434 = arith.muli %scan3A_187, %mul3A_433 : i32
        %add3A_435 = arith.addi %mul3A_2, %mul3A_434 : i32
        %dma_wait3A_436 = arith.constant 0 : i32
        %dma_wait3A_437 = arith.constant 0 : i32
        %dma_wait3A_438 = tpu.memref_slice %arg9[%rem3A_189, %dma_wait3A_436, %dma_wait3A_437] : memref<2x256x64xf32, #tpu.memory_space<vmem>> -> memref<1x256x64xf32, #tpu.memory_space<vmem>>
        %dma_wait3A_439 = tpu.memref_squeeze %dma_wait3A_438 : memref<1x256x64xf32, #tpu.memory_space<vmem>> -> memref<256x64xf32, #tpu.memory_space<vmem>>
        %dma_wait3A_440 = arith.constant 0 : i32
        %dma_wait3A_441 = tpu.memref_slice %arg5[%add3A_435, %dma_wait3A_440] : memref<819200x128xf32, #tpu.memory_space<hbm>> -> memref<256x64xf32, #tpu.memory_space<hbm>>
        %dma_wait3A_442 = tpu.memref_slice %arg14[%rem3A_189] : memref<2x!tpu.dma_semaphore, #tpu.memory_space<semaphore_mem>> -> memref<1x!tpu.dma_semaphore, #tpu.memory_space<semaphore_mem>>
        %dma_wait3A_443 = tpu.memref_squeeze %dma_wait3A_442 : memref<1x!tpu.dma_semaphore, #tpu.memory_space<semaphore_mem>> -> memref<!tpu.dma_semaphore, #tpu.memory_space<semaphore_mem>>
        %dma_wait3A_444 = arith.constant 0 : i32
        %dma_wait3A_445 = tpu.memref_slice %arg5[%add3A_435, %dma_wait3A_444] : memref<819200x128xf32, #tpu.memory_space<hbm>> -> memref<256x64xf32, #tpu.memory_space<hbm>>
        %dma_wait3A_446 = arith.constant 0 : i32
        %dma_wait3A_447 = arith.constant 0 : i32
        %dma_wait3A_448 = tpu.memref_slice %arg9[%rem3A_189, %dma_wait3A_446, %dma_wait3A_447] : memref<2x256x64xf32, #tpu.memory_space<vmem>> -> memref<1x256x64xf32, #tpu.memory_space<vmem>>
        %dma_wait3A_449 = tpu.memref_squeeze %dma_wait3A_448 : memref<1x256x64xf32, #tpu.memory_space<vmem>> -> memref<256x64xf32, #tpu.memory_space<vmem>>
        tpu.wait_dma2 semaphore(%dma_wait3A_443 : memref<!tpu.dma_semaphore, #tpu.memory_space<semaphore_mem>>) src(%dma_wait3A_449 : memref<256x64xf32, #tpu.memory_space<vmem>>) dst(%dma_wait3A_445 : memref<256x64xf32, #tpu.memory_space<hbm>>)
        %mul3A_450 = arith.constant 256 : i32
        %mul3A_451 = arith.muli %scan3A_187, %mul3A_450 : i32
        %add3A_452 = arith.addi %mul3A_2, %mul3A_451 : i32
        %dma_wait3A_453 = arith.constant 0 : i32
        %dma_wait3A_454 = arith.constant 0 : i32
        %dma_wait3A_455 = tpu.memref_slice %arg10[%rem3A_189, %dma_wait3A_453, %dma_wait3A_454] : memref<2x256x64xf32, #tpu.memory_space<vmem>> -> memref<1x256x64xf32, #tpu.memory_space<vmem>>
        %dma_wait3A_456 = tpu.memref_squeeze %dma_wait3A_455 : memref<1x256x64xf32, #tpu.memory_space<vmem>> -> memref<256x64xf32, #tpu.memory_space<vmem>>
        %dma_wait3A_457 = arith.constant 64 : i32
        %dma_wait3A_458 = tpu.memref_slice %arg5[%add3A_452, %dma_wait3A_457] : memref<819200x128xf32, #tpu.memory_space<hbm>> -> memref<256x64xf32, #tpu.memory_space<hbm>>
        %dma_wait3A_459 = tpu.memref_slice %arg14[%rem3A_189] : memref<2x!tpu.dma_semaphore, #tpu.memory_space<semaphore_mem>> -> memref<1x!tpu.dma_semaphore, #tpu.memory_space<semaphore_mem>>
        %dma_wait3A_460 = tpu.memref_squeeze %dma_wait3A_459 : memref<1x!tpu.dma_semaphore, #tpu.memory_space<semaphore_mem>> -> memref<!tpu.dma_semaphore, #tpu.memory_space<semaphore_mem>>
        %dma_wait3A_461 = arith.constant 64 : i32
        %dma_wait3A_462 = tpu.memref_slice %arg5[%add3A_452, %dma_wait3A_461] : memref<819200x128xf32, #tpu.memory_space<hbm>> -> memref<256x64xf32, #tpu.memory_space<hbm>>
        %dma_wait3A_463 = arith.constant 0 : i32
        %dma_wait3A_464 = arith.constant 0 : i32
        %dma_wait3A_465 = tpu.memref_slice %arg10[%rem3A_189, %dma_wait3A_463, %dma_wait3A_464] : memref<2x256x64xf32, #tpu.memory_space<vmem>> -> memref<1x256x64xf32, #tpu.memory_space<vmem>>
        %dma_wait3A_466 = tpu.memref_squeeze %dma_wait3A_465 : memref<1x256x64xf32, #tpu.memory_space<vmem>> -> memref<256x64xf32, #tpu.memory_space<vmem>>
        tpu.wait_dma2 semaphore(%dma_wait3A_460 : memref<!tpu.dma_semaphore, #tpu.memory_space<semaphore_mem>>) src(%dma_wait3A_466 : memref<256x64xf32, #tpu.memory_space<vmem>>) dst(%dma_wait3A_462 : memref<256x64xf32, #tpu.memory_space<hbm>>)
      } else {
      }
      %dma_start3A_311 = arith.constant 0 : i32
      %dma_start3A_312 = arith.constant 0 : i32
      %dma_start3A_313 = arith.constant 0 : i32
      %dma_start3A_314 = tpu.memref_slice %arg9[%rem3A_189, %dma_start3A_312, %dma_start3A_313] : memref<2x256x64xf32, #tpu.memory_space<vmem>> -> memref<1x128x64xf32, #tpu.memory_space<vmem>>
      %dma_start3A_315 = tpu.memref_squeeze %dma_start3A_314 : memref<1x128x64xf32, #tpu.memory_space<vmem>> -> memref<128x64xf32, #tpu.memory_space<vmem>>
      %dma_start3A_316 = arith.constant 0 : i32
      %dma_start3A_317 = tpu.memref_slice %arg7[%rem3A_189, %dma_start3A_311, %dma_start3A_316] : memref<2x2x128xi32, #tpu.memory_space<vmem>> -> memref<1x1x128xi32, #tpu.memory_space<vmem>>
      %dma_start3A_318 = tpu.memref_squeeze %dma_start3A_317 : memref<1x1x128xi32, #tpu.memory_space<vmem>> -> memref<128xi32, #tpu.memory_space<vmem>>
      %dma_start3A_319 = arith.constant 0 : i32
      %dma_start3A_320 = arith.constant 0 : i32
      %dma_start3A_321 = tpu.memref_slice %arg6[%dma_start3A_319, %dma_start3A_320] : memref<500x64xf32, #tpu.memory_space<vmem_shared>> -> memref<500x64xf32, #tpu.memory_space<vmem_shared>>
      tpu.enqueue_indirect_dma source(%dma_start3A_321 : memref<500x64xf32, #tpu.memory_space<vmem_shared>>) target(%dma_start3A_315 : memref<128x64xf32, #tpu.memory_space<vmem>>) offsets(%dma_start3A_318 : memref<128xi32, #tpu.memory_space<vmem>>) semaphore(%arg13 : memref<!tpu.dma_semaphore, #tpu.memory_space<semaphore_mem>>)
      %dma_start3A_322 = arith.constant 0 : i32
      %dma_start3A_323 = arith.constant 0 : i32
      %dma_start3A_324 = arith.constant 0 : i32
      %dma_start3A_325 = tpu.memref_slice %arg10[%rem3A_189, %dma_start3A_323, %dma_start3A_324] : memref<2x256x64xf32, #tpu.memory_space<vmem>> -> memref<1x128x64xf32, #tpu.memory_space<vmem>>
      %dma_start3A_326 = tpu.memref_squeeze %dma_start3A_325 : memref<1x128x64xf32, #tpu.memory_space<vmem>> -> memref<128x64xf32, #tpu.memory_space<vmem>>
      %dma_start3A_327 = arith.constant 0 : i32
      %dma_start3A_328 = tpu.memref_slice %arg8[%rem3A_189, %dma_start3A_322, %dma_start3A_327] : memref<2x2x128xi32, #tpu.memory_space<vmem>> -> memref<1x1x128xi32, #tpu.memory_space<vmem>>
      %dma_start3A_329 = tpu.memref_squeeze %dma_start3A_328 : memref<1x1x128xi32, #tpu.memory_space<vmem>> -> memref<128xi32, #tpu.memory_space<vmem>>
      %dma_start3A_330 = arith.constant 0 : i32
      %dma_start3A_331 = arith.constant 0 : i32
      %dma_start3A_332 = tpu.memref_slice %arg6[%dma_start3A_330, %dma_start3A_331] : memref<500x64xf32, #tpu.memory_space<vmem_shared>> -> memref<500x64xf32, #tpu.memory_space<vmem_shared>>
      tpu.enqueue_indirect_dma source(%dma_start3A_332 : memref<500x64xf32, #tpu.memory_space<vmem_shared>>) target(%dma_start3A_326 : memref<128x64xf32, #tpu.memory_space<vmem>>) offsets(%dma_start3A_329 : memref<128xi32, #tpu.memory_space<vmem>>) semaphore(%arg13 : memref<!tpu.dma_semaphore, #tpu.memory_space<semaphore_mem>>)
      %dma_start3A_333 = arith.constant 1 : i32
      %dma_start3A_334 = arith.constant 128 : i32
      %dma_start3A_335 = arith.constant 0 : i32
      %dma_start3A_336 = tpu.memref_slice %arg9[%rem3A_189, %dma_start3A_334, %dma_start3A_335] : memref<2x256x64xf32, #tpu.memory_space<vmem>> -> memref<1x128x64xf32, #tpu.memory_space<vmem>>
      %dma_start3A_337 = tpu.memref_squeeze %dma_start3A_336 : memref<1x128x64xf32, #tpu.memory_space<vmem>> -> memref<128x64xf32, #tpu.memory_space<vmem>>
      %dma_start3A_338 = arith.constant 0 : i32
      %dma_start3A_339 = tpu.memref_slice %arg7[%rem3A_189, %dma_start3A_333, %dma_start3A_338] : memref<2x2x128xi32, #tpu.memory_space<vmem>> -> memref<1x1x128xi32, #tpu.memory_space<vmem>>
      %dma_start3A_340 = tpu.memref_squeeze %dma_start3A_339 : memref<1x1x128xi32, #tpu.memory_space<vmem>> -> memref<128xi32, #tpu.memory_space<vmem>>
      %dma_start3A_341 = arith.constant 0 : i32
      %dma_start3A_342 = arith.constant 0 : i32
      %dma_start3A_343 = tpu.memref_slice %arg6[%dma_start3A_341, %dma_start3A_342] : memref<500x64xf32, #tpu.memory_space<vmem_shared>> -> memref<500x64xf32, #tpu.memory_space<vmem_shared>>
      tpu.enqueue_indirect_dma source(%dma_start3A_343 : memref<500x64xf32, #tpu.memory_space<vmem_shared>>) target(%dma_start3A_337 : memref<128x64xf32, #tpu.memory_space<vmem>>) offsets(%dma_start3A_340 : memref<128xi32, #tpu.memory_space<vmem>>) semaphore(%arg13 : memref<!tpu.dma_semaphore, #tpu.memory_space<semaphore_mem>>)
      %dma_start3A_344 = arith.constant 1 : i32
      %dma_start3A_345 = arith.constant 128 : i32
      %dma_start3A_346 = arith.constant 0 : i32
      %dma_start3A_347 = tpu.memref_slice %arg10[%rem3A_189, %dma_start3A_345, %dma_start3A_346] : memref<2x256x64xf32, #tpu.memory_space<vmem>> -> memref<1x128x64xf32, #tpu.memory_space<vmem>>
      %dma_start3A_348 = tpu.memref_squeeze %dma_start3A_347 : memref<1x128x64xf32, #tpu.memory_space<vmem>> -> memref<128x64xf32, #tpu.memory_space<vmem>>
      %dma_start3A_349 = arith.constant 0 : i32
      %dma_start3A_350 = tpu.memref_slice %arg8[%rem3A_189, %dma_start3A_344, %dma_start3A_349] : memref<2x2x128xi32, #tpu.memory_space<vmem>> -> memref<1x1x128xi32, #tpu.memory_space<vmem>>
      %dma_start3A_351 = tpu.memref_squeeze %dma_start3A_350 : memref<1x1x128xi32, #tpu.memory_space<vmem>> -> memref<128xi32, #tpu.memory_space<vmem>>
      %dma_start3A_352 = arith.constant 0 : i32
      %dma_start3A_353 = arith.constant 0 : i32
      %dma_start3A_354 = tpu.memref_slice %arg6[%dma_start3A_352, %dma_start3A_353] : memref<500x64xf32, #tpu.memory_space<vmem_shared>> -> memref<500x64xf32, #tpu.memory_space<vmem_shared>>
      tpu.enqueue_indirect_dma source(%dma_start3A_354 : memref<500x64xf32, #tpu.memory_space<vmem_shared>>) target(%dma_start3A_348 : memref<128x64xf32, #tpu.memory_space<vmem>>) offsets(%dma_start3A_351 : memref<128xi32, #tpu.memory_space<vmem>>) semaphore(%arg13 : memref<!tpu.dma_semaphore, #tpu.memory_space<semaphore_mem>>)
      %dma_wait3A_355 = arith.constant 0 : i32
      %dma_wait3A_356 = arith.constant 0 : i32
      %dma_wait3A_357 = arith.constant 0 : i32
      %dma_wait3A_358 = tpu.memref_slice %arg9[%rem3A_189, %dma_wait3A_356, %dma_wait3A_357] : memref<2x256x64xf32, #tpu.memory_space<vmem>> -> memref<1x128x64xf32, #tpu.memory_space<vmem>>
      %dma_wait3A_359 = tpu.memref_squeeze %dma_wait3A_358 : memref<1x128x64xf32, #tpu.memory_space<vmem>> -> memref<128x64xf32, #tpu.memory_space<vmem>>
      %dma_wait3A_360 = arith.constant 0 : i32
      %dma_wait3A_361 = tpu.memref_slice %arg7[%rem3A_189, %dma_wait3A_355, %dma_wait3A_360] : memref<2x2x128xi32, #tpu.memory_space<vmem>> -> memref<1x1x128xi32, #tpu.memory_space<vmem>>
      %dma_wait3A_362 = tpu.memref_squeeze %dma_wait3A_361 : memref<1x1x128xi32, #tpu.memory_space<vmem>> -> memref<128xi32, #tpu.memory_space<vmem>>
      %dma_wait3A_363 = arith.constant 0 : i32
      %dma_wait3A_364 = arith.constant 0 : i32
      %dma_wait3A_365 = tpu.memref_slice %arg6[%dma_wait3A_363, %dma_wait3A_364] : memref<500x64xf32, #tpu.memory_space<vmem_shared>> -> memref<500x64xf32, #tpu.memory_space<vmem_shared>>
      tpu.wait_indirect_dma semaphore(%arg13 : memref<!tpu.dma_semaphore, #tpu.memory_space<semaphore_mem>>) src(%dma_wait3A_365 : memref<500x64xf32, #tpu.memory_space<vmem_shared>>) dst(%dma_wait3A_359 : memref<128x64xf32, #tpu.memory_space<vmem>>)
      %dma_wait3A_366 = arith.constant 0 : i32
      %dma_wait3A_367 = arith.constant 0 : i32
      %dma_wait3A_368 = arith.constant 0 : i32
      %dma_wait3A_369 = tpu.memref_slice %arg10[%rem3A_189, %dma_wait3A_367, %dma_wait3A_368] : memref<2x256x64xf32, #tpu.memory_space<vmem>> -> memref<1x128x64xf32, #tpu.memory_space<vmem>>
      %dma_wait3A_370 = tpu.memref_squeeze %dma_wait3A_369 : memref<1x128x64xf32, #tpu.memory_space<vmem>> -> memref<128x64xf32, #tpu.memory_space<vmem>>
      %dma_wait3A_371 = arith.constant 0 : i32
      %dma_wait3A_372 = tpu.memref_slice %arg8[%rem3A_189, %dma_wait3A_366, %dma_wait3A_371] : memref<2x2x128xi32, #tpu.memory_space<vmem>> -> memref<1x1x128xi32, #tpu.memory_space<vmem>>
      %dma_wait3A_373 = tpu.memref_squeeze %dma_wait3A_372 : memref<1x1x128xi32, #tpu.memory_space<vmem>> -> memref<128xi32, #tpu.memory_space<vmem>>
      %dma_wait3A_374 = arith.constant 0 : i32
      %dma_wait3A_375 = arith.constant 0 : i32
      %dma_wait3A_376 = tpu.memref_slice %arg6[%dma_wait3A_374, %dma_wait3A_375] : memref<500x64xf32, #tpu.memory_space<vmem_shared>> -> memref<500x64xf32, #tpu.memory_space<vmem_shared>>
      tpu.wait_indirect_dma semaphore(%arg13 : memref<!tpu.dma_semaphore, #tpu.memory_space<semaphore_mem>>) src(%dma_wait3A_376 : memref<500x64xf32, #tpu.memory_space<vmem_shared>>) dst(%dma_wait3A_370 : memref<128x64xf32, #tpu.memory_space<vmem>>)
      %dma_wait3A_377 = arith.constant 1 : i32
      %dma_wait3A_378 = arith.constant 128 : i32
      %dma_wait3A_379 = arith.constant 0 : i32
      %dma_wait3A_380 = tpu.memref_slice %arg9[%rem3A_189, %dma_wait3A_378, %dma_wait3A_379] : memref<2x256x64xf32, #tpu.memory_space<vmem>> -> memref<1x128x64xf32, #tpu.memory_space<vmem>>
      %dma_wait3A_381 = tpu.memref_squeeze %dma_wait3A_380 : memref<1x128x64xf32, #tpu.memory_space<vmem>> -> memref<128x64xf32, #tpu.memory_space<vmem>>
      %dma_wait3A_382 = arith.constant 0 : i32
      %dma_wait3A_383 = tpu.memref_slice %arg7[%rem3A_189, %dma_wait3A_377, %dma_wait3A_382] : memref<2x2x128xi32, #tpu.memory_space<vmem>> -> memref<1x1x128xi32, #tpu.memory_space<vmem>>
      %dma_wait3A_384 = tpu.memref_squeeze %dma_wait3A_383 : memref<1x1x128xi32, #tpu.memory_space<vmem>> -> memref<128xi32, #tpu.memory_space<vmem>>
      %dma_wait3A_385 = arith.constant 0 : i32
      %dma_wait3A_386 = arith.constant 0 : i32
      %dma_wait3A_387 = tpu.memref_slice %arg6[%dma_wait3A_385, %dma_wait3A_386] : memref<500x64xf32, #tpu.memory_space<vmem_shared>> -> memref<500x64xf32, #tpu.memory_space<vmem_shared>>
      tpu.wait_indirect_dma semaphore(%arg13 : memref<!tpu.dma_semaphore, #tpu.memory_space<semaphore_mem>>) src(%dma_wait3A_387 : memref<500x64xf32, #tpu.memory_space<vmem_shared>>) dst(%dma_wait3A_381 : memref<128x64xf32, #tpu.memory_space<vmem>>)
      %dma_wait3A_388 = arith.constant 1 : i32
      %dma_wait3A_389 = arith.constant 128 : i32
      %dma_wait3A_390 = arith.constant 0 : i32
      %dma_wait3A_391 = tpu.memref_slice %arg10[%rem3A_189, %dma_wait3A_389, %dma_wait3A_390] : memref<2x256x64xf32, #tpu.memory_space<vmem>> -> memref<1x128x64xf32, #tpu.memory_space<vmem>>
      %dma_wait3A_392 = tpu.memref_squeeze %dma_wait3A_391 : memref<1x128x64xf32, #tpu.memory_space<vmem>> -> memref<128x64xf32, #tpu.memory_space<vmem>>
      %dma_wait3A_393 = arith.constant 0 : i32
      %dma_wait3A_394 = tpu.memref_slice %arg8[%rem3A_189, %dma_wait3A_388, %dma_wait3A_393] : memref<2x2x128xi32, #tpu.memory_space<vmem>> -> memref<1x1x128xi32, #tpu.memory_space<vmem>>
      %dma_wait3A_395 = tpu.memref_squeeze %dma_wait3A_394 : memref<1x1x128xi32, #tpu.memory_space<vmem>> -> memref<128xi32, #tpu.memory_space<vmem>>
      %dma_wait3A_396 = arith.constant 0 : i32
      %dma_wait3A_397 = arith.constant 0 : i32
      %dma_wait3A_398 = tpu.memref_slice %arg6[%dma_wait3A_396, %dma_wait3A_397] : memref<500x64xf32, #tpu.memory_space<vmem_shared>> -> memref<500x64xf32, #tpu.memory_space<vmem_shared>>
      tpu.wait_indirect_dma semaphore(%arg13 : memref<!tpu.dma_semaphore, #tpu.memory_space<semaphore_mem>>) src(%dma_wait3A_398 : memref<500x64xf32, #tpu.memory_space<vmem_shared>>) dst(%dma_wait3A_392 : memref<128x64xf32, #tpu.memory_space<vmem>>)
      %mul3A_399 = arith.constant 256 : i32
      %mul3A_400 = arith.muli %scan3A_187, %mul3A_399 : i32
      %add3A_401 = arith.addi %mul3A_2, %mul3A_400 : i32
      %dma_start3A_402 = arith.constant 0 : i32
      %dma_start3A_403 = arith.constant 0 : i32
      %dma_start3A_404 = tpu.memref_slice %arg9[%rem3A_189, %dma_start3A_402, %dma_start3A_403] : memref<2x256x64xf32, #tpu.memory_space<vmem>> -> memref<1x256x64xf32, #tpu.memory_space<vmem>>
      %dma_start3A_405 = tpu.memref_squeeze %dma_start3A_404 : memref<1x256x64xf32, #tpu.memory_space<vmem>> -> memref<256x64xf32, #tpu.memory_space<vmem>>
      %dma_start3A_406 = arith.constant 0 : i32
      %dma_start3A_407 = tpu.memref_slice %arg5[%add3A_401, %dma_start3A_406] : memref<819200x128xf32, #tpu.memory_space<hbm>> -> memref<256x64xf32, #tpu.memory_space<hbm>>
      %dma_start3A_408 = tpu.memref_slice %arg14[%rem3A_189] : memref<2x!tpu.dma_semaphore, #tpu.memory_space<semaphore_mem>> -> memref<1x!tpu.dma_semaphore, #tpu.memory_space<semaphore_mem>>
      %dma_start3A_409 = tpu.memref_squeeze %dma_start3A_408 : memref<1x!tpu.dma_semaphore, #tpu.memory_space<semaphore_mem>> -> memref<!tpu.dma_semaphore, #tpu.memory_space<semaphore_mem>>
      %dma_start3A_410 = arith.constant 0 : i32
      %dma_start3A_411 = tpu.memref_slice %arg5[%add3A_401, %dma_start3A_410] : memref<819200x128xf32, #tpu.memory_space<hbm>> -> memref<256x64xf32, #tpu.memory_space<hbm>>
      %dma_start3A_412 = arith.constant 0 : i32
      %dma_start3A_413 = arith.constant 0 : i32
      %dma_start3A_414 = tpu.memref_slice %arg9[%rem3A_189, %dma_start3A_412, %dma_start3A_413] : memref<2x256x64xf32, #tpu.memory_space<vmem>> -> memref<1x256x64xf32, #tpu.memory_space<vmem>>
      %dma_start3A_415 = tpu.memref_squeeze %dma_start3A_414 : memref<1x256x64xf32, #tpu.memory_space<vmem>> -> memref<256x64xf32, #tpu.memory_space<vmem>>
      tpu.enqueue_dma source(%dma_start3A_415 : memref<256x64xf32, #tpu.memory_space<vmem>>) target(%dma_start3A_411 : memref<256x64xf32, #tpu.memory_space<hbm>>) target_semaphore(%dma_start3A_409 : memref<!tpu.dma_semaphore, #tpu.memory_space<semaphore_mem>>)
      %mul3A_416 = arith.constant 256 : i32
      %mul3A_417 = arith.muli %scan3A_187, %mul3A_416 : i32
      %add3A_418 = arith.addi %mul3A_2, %mul3A_417 : i32
      %dma_start3A_419 = arith.constant 0 : i32
      %dma_start3A_420 = arith.constant 0 : i32
      %dma_start3A_421 = tpu.memref_slice %arg10[%rem3A_189, %dma_start3A_419, %dma_start3A_420] : memref<2x256x64xf32, #tpu.memory_space<vmem>> -> memref<1x256x64xf32, #tpu.memory_space<vmem>>
      %dma_start3A_422 = tpu.memref_squeeze %dma_start3A_421 : memref<1x256x64xf32, #tpu.memory_space<vmem>> -> memref<256x64xf32, #tpu.memory_space<vmem>>
      %dma_start3A_423 = arith.constant 64 : i32
      %dma_start3A_424 = tpu.memref_slice %arg5[%add3A_418, %dma_start3A_423] : memref<819200x128xf32, #tpu.memory_space<hbm>> -> memref<256x64xf32, #tpu.memory_space<hbm>>
      %dma_start3A_425 = tpu.memref_slice %arg14[%rem3A_189] : memref<2x!tpu.dma_semaphore, #tpu.memory_space<semaphore_mem>> -> memref<1x!tpu.dma_semaphore, #tpu.memory_space<semaphore_mem>>
      %dma_start3A_426 = tpu.memref_squeeze %dma_start3A_425 : memref<1x!tpu.dma_semaphore, #tpu.memory_space<semaphore_mem>> -> memref<!tpu.dma_semaphore, #tpu.memory_space<semaphore_mem>>
      %dma_start3A_427 = arith.constant 64 : i32
      %dma_start3A_428 = tpu.memref_slice %arg5[%add3A_418, %dma_start3A_427] : memref<819200x128xf32, #tpu.memory_space<hbm>> -> memref<256x64xf32, #tpu.memory_space<hbm>>
      %dma_start3A_429 = arith.constant 0 : i32
      %dma_start3A_430 = arith.constant 0 : i32
      %dma_start3A_431 = tpu.memref_slice %arg10[%rem3A_189, %dma_start3A_429, %dma_start3A_430] : memref<2x256x64xf32, #tpu.memory_space<vmem>> -> memref<1x256x64xf32, #tpu.memory_space<vmem>>
      %dma_start3A_432 = tpu.memref_squeeze %dma_start3A_431 : memref<1x256x64xf32, #tpu.memory_space<vmem>> -> memref<256x64xf32, #tpu.memory_space<vmem>>
      tpu.enqueue_dma source(%dma_start3A_432 : memref<256x64xf32, #tpu.memory_space<vmem>>) target(%dma_start3A_428 : memref<256x64xf32, #tpu.memory_space<hbm>>) target_semaphore(%dma_start3A_426 : memref<!tpu.dma_semaphore, #tpu.memory_space<semaphore_mem>>)
    }
    %scan3A_57 = arith.constant 100 : i32
    %add3A_58 = arith.constant 25344 : i32
    %add3A_59 = arith.addi %mul3A_2, %add3A_58 : i32
    %jit3A_60 = arith.constant 128 : i32
    %div3A_61 = arith.divsi %add3A_59, %jit3A_60 : i32
    %sign3A_62 = arith.constant 0 : i32
    %sign3A_63 = arith.cmpi sgt, %add3A_59, %sign3A_62 : i32
    %sign3A_64 = arith.extui %sign3A_63 : i1 to i32
    %sign3A_65 = arith.constant 0 : i32
    %sign3A_66 = arith.cmpi slt, %add3A_59, %sign3A_65 : i32
    %sign3A_67 = arith.extui %sign3A_66 : i1 to i32
    %sign3A_68 = arith.subi %sign3A_64, %sign3A_67 : i32
    %sign3A_69 = arith.constant 0 : i32
    %sign3A_70 = arith.cmpi sgt, %jit3A_60, %sign3A_69 : i32
    %sign3A_71 = arith.extui %sign3A_70 : i1 to i32
    %sign3A_72 = arith.constant 0 : i32
    %sign3A_73 = arith.cmpi slt, %jit3A_60, %sign3A_72 : i32
    %sign3A_74 = arith.extui %sign3A_73 : i1 to i32
    %sign3A_75 = arith.subi %sign3A_71, %sign3A_74 : i32
    %ne3A_76 = arith.cmpi ne, %sign3A_68, %sign3A_75 : i32
    %rem3A_77 = arith.remsi %add3A_59, %jit3A_60 : i32
    %ne3A_78 = arith.constant 0 : i32
    %ne3A_79 = arith.cmpi ne, %rem3A_77, %ne3A_78 : i32
    %and3A_80 = arith.andi %ne3A_76, %ne3A_79 : i1
    %sub3A_81 = arith.constant 1 : i32
    %sub3A_82 = arith.subi %div3A_61, %sub3A_81 : i32
    %select_n3A_83 = arith.select %and3A_80, %sub3A_82, %div3A_61 : i32
    %dma_wait3A = arith.constant 0 : i32
    %dma_wait3A_84 = arith.constant 0 : i32
    %dma_wait3A_85 = arith.constant 0 : i32
    %dma_wait3A_86 = arith.constant 0 : i32
    %dma_wait3A_87 = tpu.memref_slice %arg7[%dma_wait3A, %dma_wait3A_85, %dma_wait3A_86] : memref<2x2x128xi32, #tpu.memory_space<vmem>> -> memref<1x2x128xi32, #tpu.memory_space<vmem>>
    %dma_wait3A_88 = tpu.memref_squeeze %dma_wait3A_87 : memref<1x2x128xi32, #tpu.memory_space<vmem>> -> memref<2x128xi32, #tpu.memory_space<vmem>>
    %dma_wait3A_89 = arith.constant 0 : i32
    %dma_wait3A_90 = tpu.memref_slice %arg3[%select_n3A_83, %dma_wait3A_89] : memref<6400x128xi32, #tpu.memory_space<hbm>> -> memref<2x128xi32, #tpu.memory_space<hbm>>
    %dma_wait3A_91 = tpu.memref_slice %arg12[%dma_wait3A_84] : memref<2x!tpu.dma_semaphore, #tpu.memory_space<semaphore_mem>> -> memref<1x!tpu.dma_semaphore, #tpu.memory_space<semaphore_mem>>
    %dma_wait3A_92 = tpu.memref_squeeze %dma_wait3A_91 : memref<1x!tpu.dma_semaphore, #tpu.memory_space<semaphore_mem>> -> memref<!tpu.dma_semaphore, #tpu.memory_space<semaphore_mem>>
    %dma_wait3A_93 = arith.constant 0 : i32
    %dma_wait3A_94 = arith.constant 0 : i32
    %dma_wait3A_95 = tpu.memref_slice %arg7[%dma_wait3A, %dma_wait3A_93, %dma_wait3A_94] : memref<2x2x128xi32, #tpu.memory_space<vmem>> -> memref<1x2x128xi32, #tpu.memory_space<vmem>>
    %dma_wait3A_96 = tpu.memref_squeeze %dma_wait3A_95 : memref<1x2x128xi32, #tpu.memory_space<vmem>> -> memref<2x128xi32, #tpu.memory_space<vmem>>
    %dma_wait3A_97 = arith.constant 0 : i32
    %dma_wait3A_98 = tpu.memref_slice %arg3[%select_n3A_83, %dma_wait3A_97] : memref<6400x128xi32, #tpu.memory_space<hbm>> -> memref<2x128xi32, #tpu.memory_space<hbm>>
    tpu.wait_dma2 semaphore(%dma_wait3A_92 : memref<!tpu.dma_semaphore, #tpu.memory_space<semaphore_mem>>) src(%dma_wait3A_98 : memref<2x128xi32, #tpu.memory_space<hbm>>) dst(%dma_wait3A_96 : memref<2x128xi32, #tpu.memory_space<vmem>>)
    %dma_wait3A_99 = arith.constant 0 : i32
    %dma_wait3A_100 = arith.constant 0 : i32
    %dma_wait3A_101 = arith.constant 0 : i32
    %dma_wait3A_102 = arith.constant 0 : i32
    %dma_wait3A_103 = tpu.memref_slice %arg8[%dma_wait3A_99, %dma_wait3A_101, %dma_wait3A_102] : memref<2x2x128xi32, #tpu.memory_space<vmem>> -> memref<1x2x128xi32, #tpu.memory_space<vmem>>
    %dma_wait3A_104 = tpu.memref_squeeze %dma_wait3A_103 : memref<1x2x128xi32, #tpu.memory_space<vmem>> -> memref<2x128xi32, #tpu.memory_space<vmem>>
    %dma_wait3A_105 = arith.constant 0 : i32
    %dma_wait3A_106 = tpu.memref_slice %arg4[%select_n3A_83, %dma_wait3A_105] : memref<6400x128xi32, #tpu.memory_space<hbm>> -> memref<2x128xi32, #tpu.memory_space<hbm>>
    %dma_wait3A_107 = tpu.memref_slice %arg12[%dma_wait3A_100] : memref<2x!tpu.dma_semaphore, #tpu.memory_space<semaphore_mem>> -> memref<1x!tpu.dma_semaphore, #tpu.memory_space<semaphore_mem>>
    %dma_wait3A_108 = tpu.memref_squeeze %dma_wait3A_107 : memref<1x!tpu.dma_semaphore, #tpu.memory_space<semaphore_mem>> -> memref<!tpu.dma_semaphore, #tpu.memory_space<semaphore_mem>>
    %dma_wait3A_109 = arith.constant 0 : i32
    %dma_wait3A_110 = arith.constant 0 : i32
    %dma_wait3A_111 = tpu.memref_slice %arg8[%dma_wait3A_99, %dma_wait3A_109, %dma_wait3A_110] : memref<2x2x128xi32, #tpu.memory_space<vmem>> -> memref<1x2x128xi32, #tpu.memory_space<vmem>>
    %dma_wait3A_112 = tpu.memref_squeeze %dma_wait3A_111 : memref<1x2x128xi32, #tpu.memory_space<vmem>> -> memref<2x128xi32, #tpu.memory_space<vmem>>
    %dma_wait3A_113 = arith.constant 0 : i32
    %dma_wait3A_114 = tpu.memref_slice %arg4[%select_n3A_83, %dma_wait3A_113] : memref<6400x128xi32, #tpu.memory_space<hbm>> -> memref<2x128xi32, #tpu.memory_space<hbm>>
    tpu.wait_dma2 semaphore(%dma_wait3A_108 : memref<!tpu.dma_semaphore, #tpu.memory_space<semaphore_mem>>) src(%dma_wait3A_114 : memref<2x128xi32, #tpu.memory_space<hbm>>) dst(%dma_wait3A_112 : memref<2x128xi32, #tpu.memory_space<vmem>>)
    %add3A_115 = arith.constant 0 : i32
    %add3A_116 = arith.addi %mul3A_2, %add3A_115 : i32
    %dma_wait3A_117 = arith.constant 0 : i32
    %dma_wait3A_118 = arith.constant 0 : i32
    %dma_wait3A_119 = arith.constant 0 : i32
    %dma_wait3A_120 = arith.constant 0 : i32
    %dma_wait3A_121 = tpu.memref_slice %arg9[%dma_wait3A_117, %dma_wait3A_119, %dma_wait3A_120] : memref<2x256x64xf32, #tpu.memory_space<vmem>> -> memref<1x256x64xf32, #tpu.memory_space<vmem>>
    %dma_wait3A_122 = tpu.memref_squeeze %dma_wait3A_121 : memref<1x256x64xf32, #tpu.memory_space<vmem>> -> memref<256x64xf32, #tpu.memory_space<vmem>>
    %dma_wait3A_123 = arith.constant 0 : i32
    %dma_wait3A_124 = tpu.memref_slice %arg5[%add3A_116, %dma_wait3A_123] : memref<819200x128xf32, #tpu.memory_space<hbm>> -> memref<256x64xf32, #tpu.memory_space<hbm>>
    %dma_wait3A_125 = tpu.memref_slice %arg14[%dma_wait3A_118] : memref<2x!tpu.dma_semaphore, #tpu.memory_space<semaphore_mem>> -> memref<1x!tpu.dma_semaphore, #tpu.memory_space<semaphore_mem>>
    %dma_wait3A_126 = tpu.memref_squeeze %dma_wait3A_125 : memref<1x!tpu.dma_semaphore, #tpu.memory_space<semaphore_mem>> -> memref<!tpu.dma_semaphore, #tpu.memory_space<semaphore_mem>>
    %dma_wait3A_127 = arith.constant 0 : i32
    %dma_wait3A_128 = tpu.memref_slice %arg5[%add3A_116, %dma_wait3A_127] : memref<819200x128xf32, #tpu.memory_space<hbm>> -> memref<256x64xf32, #tpu.memory_space<hbm>>
    %dma_wait3A_129 = arith.constant 0 : i32
    %dma_wait3A_130 = arith.constant 0 : i32
    %dma_wait3A_131 = tpu.memref_slice %arg9[%dma_wait3A_117, %dma_wait3A_129, %dma_wait3A_130] : memref<2x256x64xf32, #tpu.memory_space<vmem>> -> memref<1x256x64xf32, #tpu.memory_space<vmem>>
    %dma_wait3A_132 = tpu.memref_squeeze %dma_wait3A_131 : memref<1x256x64xf32, #tpu.memory_space<vmem>> -> memref<256x64xf32, #tpu.memory_space<vmem>>
    tpu.wait_dma2 semaphore(%dma_wait3A_126 : memref<!tpu.dma_semaphore, #tpu.memory_space<semaphore_mem>>) src(%dma_wait3A_132 : memref<256x64xf32, #tpu.memory_space<vmem>>) dst(%dma_wait3A_128 : memref<256x64xf32, #tpu.memory_space<hbm>>)
    %add3A_133 = arith.constant 0 : i32
    %add3A_134 = arith.addi %mul3A_2, %add3A_133 : i32
    %dma_wait3A_135 = arith.constant 0 : i32
    %dma_wait3A_136 = arith.constant 0 : i32
    %dma_wait3A_137 = arith.constant 0 : i32
    %dma_wait3A_138 = arith.constant 0 : i32
    %dma_wait3A_139 = tpu.memref_slice %arg10[%dma_wait3A_135, %dma_wait3A_137, %dma_wait3A_138] : memref<2x256x64xf32, #tpu.memory_space<vmem>> -> memref<1x256x64xf32, #tpu.memory_space<vmem>>
    %dma_wait3A_140 = tpu.memref_squeeze %dma_wait3A_139 : memref<1x256x64xf32, #tpu.memory_space<vmem>> -> memref<256x64xf32, #tpu.memory_space<vmem>>
    %dma_wait3A_141 = arith.constant 64 : i32
    %dma_wait3A_142 = tpu.memref_slice %arg5[%add3A_134, %dma_wait3A_141] : memref<819200x128xf32, #tpu.memory_space<hbm>> -> memref<256x64xf32, #tpu.memory_space<hbm>>
    %dma_wait3A_143 = tpu.memref_slice %arg14[%dma_wait3A_136] : memref<2x!tpu.dma_semaphore, #tpu.memory_space<semaphore_mem>> -> memref<1x!tpu.dma_semaphore, #tpu.memory_space<semaphore_mem>>
    %dma_wait3A_144 = tpu.memref_squeeze %dma_wait3A_143 : memref<1x!tpu.dma_semaphore, #tpu.memory_space<semaphore_mem>> -> memref<!tpu.dma_semaphore, #tpu.memory_space<semaphore_mem>>
    %dma_wait3A_145 = arith.constant 64 : i32
    %dma_wait3A_146 = tpu.memref_slice %arg5[%add3A_134, %dma_wait3A_145] : memref<819200x128xf32, #tpu.memory_space<hbm>> -> memref<256x64xf32, #tpu.memory_space<hbm>>
    %dma_wait3A_147 = arith.constant 0 : i32
    %dma_wait3A_148 = arith.constant 0 : i32
    %dma_wait3A_149 = tpu.memref_slice %arg10[%dma_wait3A_135, %dma_wait3A_147, %dma_wait3A_148] : memref<2x256x64xf32, #tpu.memory_space<vmem>> -> memref<1x256x64xf32, #tpu.memory_space<vmem>>
    %dma_wait3A_150 = tpu.memref_squeeze %dma_wait3A_149 : memref<1x256x64xf32, #tpu.memory_space<vmem>> -> memref<256x64xf32, #tpu.memory_space<vmem>>
    tpu.wait_dma2 semaphore(%dma_wait3A_144 : memref<!tpu.dma_semaphore, #tpu.memory_space<semaphore_mem>>) src(%dma_wait3A_150 : memref<256x64xf32, #tpu.memory_space<vmem>>) dst(%dma_wait3A_146 : memref<256x64xf32, #tpu.memory_space<hbm>>)
    %add3A_151 = arith.constant 0 : i32
    %add3A_152 = arith.addi %mul3A_2, %add3A_151 : i32
    %dma_wait3A_153 = arith.constant 1 : i32
    %dma_wait3A_154 = arith.constant 1 : i32
    %dma_wait3A_155 = arith.constant 0 : i32
    %dma_wait3A_156 = arith.constant 0 : i32
    %dma_wait3A_157 = tpu.memref_slice %arg9[%dma_wait3A_153, %dma_wait3A_155, %dma_wait3A_156] : memref<2x256x64xf32, #tpu.memory_space<vmem>> -> memref<1x256x64xf32, #tpu.memory_space<vmem>>
    %dma_wait3A_158 = tpu.memref_squeeze %dma_wait3A_157 : memref<1x256x64xf32, #tpu.memory_space<vmem>> -> memref<256x64xf32, #tpu.memory_space<vmem>>
    %dma_wait3A_159 = arith.constant 0 : i32
    %dma_wait3A_160 = tpu.memref_slice %arg5[%add3A_152, %dma_wait3A_159] : memref<819200x128xf32, #tpu.memory_space<hbm>> -> memref<256x64xf32, #tpu.memory_space<hbm>>
    %dma_wait3A_161 = tpu.memref_slice %arg14[%dma_wait3A_154] : memref<2x!tpu.dma_semaphore, #tpu.memory_space<semaphore_mem>> -> memref<1x!tpu.dma_semaphore, #tpu.memory_space<semaphore_mem>>
    %dma_wait3A_162 = tpu.memref_squeeze %dma_wait3A_161 : memref<1x!tpu.dma_semaphore, #tpu.memory_space<semaphore_mem>> -> memref<!tpu.dma_semaphore, #tpu.memory_space<semaphore_mem>>
    %dma_wait3A_163 = arith.constant 0 : i32
    %dma_wait3A_164 = tpu.memref_slice %arg5[%add3A_152, %dma_wait3A_163] : memref<819200x128xf32, #tpu.memory_space<hbm>> -> memref<256x64xf32, #tpu.memory_space<hbm>>
    %dma_wait3A_165 = arith.constant 0 : i32
    %dma_wait3A_166 = arith.constant 0 : i32
    %dma_wait3A_167 = tpu.memref_slice %arg9[%dma_wait3A_153, %dma_wait3A_165, %dma_wait3A_166] : memref<2x256x64xf32, #tpu.memory_space<vmem>> -> memref<1x256x64xf32, #tpu.memory_space<vmem>>
    %dma_wait3A_168 = tpu.memref_squeeze %dma_wait3A_167 : memref<1x256x64xf32, #tpu.memory_space<vmem>> -> memref<256x64xf32, #tpu.memory_space<vmem>>
    tpu.wait_dma2 semaphore(%dma_wait3A_162 : memref<!tpu.dma_semaphore, #tpu.memory_space<semaphore_mem>>) src(%dma_wait3A_168 : memref<256x64xf32, #tpu.memory_space<vmem>>) dst(%dma_wait3A_164 : memref<256x64xf32, #tpu.memory_space<hbm>>)
    %add3A_169 = arith.constant 0 : i32
    %add3A_170 = arith.addi %mul3A_2, %add3A_169 : i32
    %dma_wait3A_171 = arith.constant 1 : i32
    %dma_wait3A_172 = arith.constant 1 : i32
    %dma_wait3A_173 = arith.constant 0 : i32
    %dma_wait3A_174 = arith.constant 0 : i32
    %dma_wait3A_175 = tpu.memref_slice %arg10[%dma_wait3A_171, %dma_wait3A_173, %dma_wait3A_174] : memref<2x256x64xf32, #tpu.memory_space<vmem>> -> memref<1x256x64xf32, #tpu.memory_space<vmem>>
    %dma_wait3A_176 = tpu.memref_squeeze %dma_wait3A_175 : memref<1x256x64xf32, #tpu.memory_space<vmem>> -> memref<256x64xf32, #tpu.memory_space<vmem>>
    %dma_wait3A_177 = arith.constant 64 : i32
    %dma_wait3A_178 = tpu.memref_slice %arg5[%add3A_170, %dma_wait3A_177] : memref<819200x128xf32, #tpu.memory_space<hbm>> -> memref<256x64xf32, #tpu.memory_space<hbm>>
    %dma_wait3A_179 = tpu.memref_slice %arg14[%dma_wait3A_172] : memref<2x!tpu.dma_semaphore, #tpu.memory_space<semaphore_mem>> -> memref<1x!tpu.dma_semaphore, #tpu.memory_space<semaphore_mem>>
    %dma_wait3A_180 = tpu.memref_squeeze %dma_wait3A_179 : memref<1x!tpu.dma_semaphore, #tpu.memory_space<semaphore_mem>> -> memref<!tpu.dma_semaphore, #tpu.memory_space<semaphore_mem>>
    %dma_wait3A_181 = arith.constant 64 : i32
    %dma_wait3A_182 = tpu.memref_slice %arg5[%add3A_170, %dma_wait3A_181] : memref<819200x128xf32, #tpu.memory_space<hbm>> -> memref<256x64xf32, #tpu.memory_space<hbm>>
    %dma_wait3A_183 = arith.constant 0 : i32
    %dma_wait3A_184 = arith.constant 0 : i32
    %dma_wait3A_185 = tpu.memref_slice %arg10[%dma_wait3A_171, %dma_wait3A_183, %dma_wait3A_184] : memref<2x256x64xf32, #tpu.memory_space<vmem>> -> memref<1x256x64xf32, #tpu.memory_space<vmem>>
    %dma_wait3A_186 = tpu.memref_squeeze %dma_wait3A_185 : memref<1x256x64xf32, #tpu.memory_space<vmem>> -> memref<256x64xf32, #tpu.memory_space<vmem>>
    tpu.wait_dma2 semaphore(%dma_wait3A_180 : memref<!tpu.dma_semaphore, #tpu.memory_space<semaphore_mem>>) src(%dma_wait3A_186 : memref<256x64xf32, #tpu.memory_space<vmem>>) dst(%dma_wait3A_182 : memref<256x64xf32, #tpu.memory_space<hbm>>)
    return
  }
}

</mosaic_0001>

<sc_bundles>
// kernel: kernel.3.cloned.1.call-start
scs
__scs_entry_jumppad:
0x0: {  	(pc) =	sbr.rel $0x88, $3  }
0x1: {  	(tag) =	ssettag $0x0;
	lr =	simm.s32 $0x1  }
0x2: {  	[smem:$0x3F9F] =	sst lr;
	_ =	strace $0xD0000000  }
0x3: {  	_ = 	snop  }
0x4: {  	_ = 	snop  }
0x5: {  	_ = 	snop  }
0x6: {  	_ = 	snop  }
0x7: {  	_ = 	snop  }
__scs_overlays_trampoline_lowered:
0x8: {  	[smem:$0x3FAE] =	sst s0  }
0x9: {  	[smem:$0x3FAF] =	sst s1  }
0xa: {  	[smem:$0x3FB0] =	sst s2  }
0xb: {  	[smem:$0x3FB1] =	sst s3  }
0xc: {  	[smem:$0x3FB2] =	sst s4  }
0xd: {  	[smem:$0x3FB3] =	sst s5  }
0xe: {  	[smem:$0x3FB4] =	sst s6  }
0xf: {  	[smem:$0x3FB5] =	sst s7  }
0x10: {  	[smem:$0x3FB6] =	sst s8  }
0x11: {  	[smem:$0x3FB7] =	sst s9;
	s0 =	simm.s32 @!p0 $0x0  }
0x12: {  	s1 =	sld [smem:$0x3F9D];
	s0 =	simm.s32 @p0 $0x1  }
0x13: {  	[smem:$0x3FB8] =	sst s0;
	s0 =	simm.s32 @!p1 $0x0  }
0x14: {  	s2 =	sld [smem:$0x3F9C];
	s0 =	simm.s32 @p1 $0x1  }
0x15: {  	[smem:$0x3FB9] =	sst s0;
	s0 =	simm.s32 @!p2 $0x0  }
0x16: {  	s3 =	sld [smem:$0x3FDB];
	s0 =	simm.s32 @p2 $0x1  }
0x17: {  	s4 =	simm.s32 $0x1BF5;
	[smem:$0x3FBB] =	sst s0  }
0x18: {  	s0 =	sld [smem:$0x3F9E];
	_ =	swait.ge [sflag:s4], $0x0  }
0x19: {  	s7 =	sld [smem:$0x3F9F]  }
0x1a: {  	s8 =	sadd.s32 $0xFFFFE003, lr  }
0x1b: {  	s9 =	sadd.s32 $0xFFFFFEF7, lr;
	s5 =	simm.s32 $0xFFFFFFFF;
	p2 =	slt.u32 s8, $0xFFFFF086  }
0x1c: {  	p1 =	slt.u32 s9, $0xF7A;
	s5 =	simm.s32 @!p2 $0x0  }
0x1d: {  	s5 =	simm.s32 @p1 $0x1;
	p0 =	seq.s32 s7, s2  }
0x1e: {  	s7 =	smul.u32 @!p0 $0xF7A, s2;
	p2 =	seq.s32 @!p0 s5, $0x0  }
0x1f: {  	s9 =	smul.u32 $0xF7A, s1;
	s8 =	simm.s32 @!p0 $0x1BF5;
	p2 =	por !p2, p0  }
0x20: {  	[sflag:s8] =	ssyncset.s32 @!p0 $0xFFFFF086;
	s6 =	sadd.s32 @!p0 s3, s7;
	s7 =	simm.s32 @!p0 $0x108  }
0x21: {  	s3 =	sadd.s32 s3, s9;
	s6 =	sadd.s32 @!p0 $0x88, s6;
	s7 =	simm.s32 @p2 $0x1082  }
0x22: {  	[simem:s7], [sflag:s8] =	dma.local @!p0 [hbm:s6], $0xF7A  }
0x23: {  	s9 =	sor.u32 $0xD0000000, s2;
	s6 =	simm.s32 $0x108;
	_ =	swait.ge @!p0 [sflag:s8], $0x0  }
0x24: {  	s3 =	sadd.s32 $0x88, s3;
	s6 =	simm.s32 @!p1 $0x1082;
	[sflag:s4] =	ssyncset.s32 $0xFFFFF086  }
0x25: {  	[simem:s6], [sflag:s4] =	dma.local [hbm:s3], $0xF7A  }
0x26: {  	[smem:$0x3F9F] =	sst s1;
	(tag) =	ssettag s2;
	_ =	strace s9  }
0x27: {  	s1 =	sld [smem:$0x3FAF]  }
0x28: {  	s2 =	sld [smem:$0x3FB0]  }
0x29: {  	s4 =	sld [smem:$0x3FB2]  }
0x2a: {  	p0 =	seq.s32 s5, $0x0;
	s5 =	sld [smem:$0x3FB3]  }
0x2b: {  	s6 =	sld [smem:$0x3FB4]  }
0x2c: {  	s7 =	sld [smem:$0x3FB5]  }
0x2d: {  	s3 =	simm.s32 $0x108;
	s8 =	sld [smem:$0x3FB6]  }
0x2e: {  	s3 =	simm.s32 @!p0 $0x1082;
	s9 =	sld [smem:$0x3FB7]  }
0x2f: {  	lr =	sadd.s32 s0, s3;
	s0 =	sld [smem:$0x3FAE]  }
0x30: {  	s3 =	sld [smem:$0x3FB1]  }
0x31: {  	[smem:$0x3FBA] =	sst s10  }
0x32: {  	s10 =	sld [smem:$0x3FB8];
	_ =	sdelay $0x3  }
0x33: {  	p0 =	seq.s32 s10, $0x1;
	s10 =	sld [smem:$0x3FBA];
	_ =	sdelay $0x3  }
0x34: {  	[smem:$0x3FBA] =	sst s10  }
0x35: {  	s10 =	sld [smem:$0x3FB9];
	_ =	sdelay $0x3  }
0x36: {  	p1 =	seq.s32 s10, $0x1;
	s10 =	sld [smem:$0x3FBA];
	_ =	sdelay $0x3  }
0x37: {  	[smem:$0x3FBA] =	sst s10  }
0x38: {  	s10 =	sld [smem:$0x3FBB]  }
0x39: {  	_ = 	snop;
	(pc) =	sbr.ind lr, $3  }
0x3a: {  	_ = 	snop  }
0x3b: {  	_ = 	snop  }
0x3c: {  	p2 =	seq.s32 s10, $0x1;
	s10 =	sld [smem:$0x3FBA]  }
0x3d: {  	_ =	shalt  }
0x3e: {  	_ =	shalt  }
0x3f: {  	_ =	shalt  }
0x40: {  	_ =	shalt  }
0x41: {  	_ =	shalt  }
0x42: {  	_ =	shalt  }
0x43: {  	_ =	shalt  }
0x44: {  	_ =	shalt  }
0x45: {  	_ =	shalt  }
0x46: {  	_ =	shalt  }
0x47: {  	_ =	shalt  }
0x48: {  	_ =	shalt  }
0x49: {  	_ =	shalt  }
0x4a: {  	_ =	shalt  }
0x4b: {  	_ =	shalt  }
0x4c: {  	_ =	shalt  }
0x4d: {  	_ =	shalt  }
0x4e: {  	_ =	shalt  }
0x4f: {  	_ =	shalt  }
0x50: {  	_ =	shalt  }
0x51: {  	_ =	shalt  }
0x52: {  	_ =	shalt  }
0x53: {  	_ =	shalt  }
0x54: {  	_ =	shalt  }
0x55: {  	_ =	shalt  }
0x56: {  	_ =	shalt  }
0x57: {  	_ =	shalt  }
0x58: {  	_ =	shalt  }
0x59: {  	_ =	shalt  }
0x5a: {  	_ =	shalt  }
0x5b: {  	_ =	shalt  }
0x5c: {  	_ =	shalt  }
0x5d: {  	_ =	shalt  }
0x5e: {  	_ =	shalt  }
0x5f: {  	_ =	shalt  }
0x60: {  	_ =	shalt  }
0x61: {  	_ =	shalt  }
0x62: {  	_ =	shalt  }
0x63: {  	_ =	shalt  }
0x64: {  	_ =	shalt  }
0x65: {  	_ =	shalt  }
0x66: {  	_ =	shalt  }
0x67: {  	_ =	shalt  }
0x68: {  	_ =	shalt  }
0x69: {  	_ =	shalt  }
0x6a: {  	_ =	shalt  }
0x6b: {  	_ =	shalt  }
0x6c: {  	_ =	shalt  }
0x6d: {  	_ =	shalt  }
0x6e: {  	_ =	shalt  }
0x6f: {  	_ =	shalt  }
0x70: {  	_ =	shalt  }
0x71: {  	_ =	shalt  }
0x72: {  	_ =	shalt  }
0x73: {  	_ =	shalt  }
0x74: {  	_ =	shalt  }
0x75: {  	_ =	shalt  }
0x76: {  	_ =	shalt  }
0x77: {  	_ =	shalt  }
0x78: {  	_ =	shalt  }
0x79: {  	_ =	shalt  }
0x7a: {  	_ =	shalt  }
0x7b: {  	_ =	shalt  }
0x7c: {  	_ =	shalt  }
0x7d: {  	_ =	shalt  }
0x7e: {  	_ =	shalt  }
0x7f: {  	_ =	shalt  }
0x80: {  	_ =	shalt  }
0x81: {  	_ =	shalt  }
0x82: {  	_ =	shalt  }
0x83: {  	_ =	shalt  }
0x84: {  	_ =	shalt  }
0x85: {  	_ =	shalt  }
0x86: {  	_ =	shalt  }
0x87: {  	_ =	shalt  }
.Lfunc_end0:
.L_simem_size_0:
called_computation_lowered:
.L_overlay_start_0:
0x88: {  	s2 =	sld [smem:$0x3FD9]  }
0x89: {  	s3 =	sld [smem:$0x3FFE];
	_ =	sdelay $0x1  }
0x8a: {  	s1 =	srdreg.scid  }
0x8b: {  	s0 =	sand.u32 $0x1, s1  }
0x8c: {  	s17 =	sshll.u32 s0, $0xA;
	s2 =	sadd.s32 s3, s2  }
0x8d: {  	s2 =	sadd.s32 s2, s17  }
0x8e: {  	[smem:$0x3FC6] =	sst s2  }
0x8f: {  	_ = 	snop  }
0x90: {  	s2 =	sld [smem:$0x3FD0];
	(tm) =	ssettm $0x1  }
0x91: {  	s18 =	sld [smem:$0x3FFB];
	_ =	sdelay $0x3  }
0x92: {  	_ =	strace s18  }
0x93: {  	s3 =	sld [smem:$0x3FFC];
	_ =	sdelay $0x3  }
0x94: {  	_ =	strace s3  }
0x95: {  	s3 =	sld [smem:$0x3FFD];
	_ =	sdelay $0x3  }
0x96: {  	_ =	strace s3  }
0x97: {  	_ =	strace $0x8FFFFFFF  }
0x98: {  	s19 =	sld [smem:$0x3FDB];
	_ =	sdelay $0x1  }
0x99: {  	s4 =	simm.s32 $_scs_section_size  }
0x9a: {  	s5 =	simm.s32 $_size__tile_overlayer_lowered;
	s6 =	simm.s32 $_tile_overlayer_lowered  }
0x9b: {  	s22 =	simm.s32 $0x1BFF;
	s21 =	sshll.u32 s6, $0x1;
	s3 =	sadd.s32 s4, s19  }
0x9c: {  	s7 =	simm.s32 $0x0;
	s20 =	sshll.u32 s5, $0x1;
	s5 =	sadd.s32 s21, s3  }
0x9d: {  	[timem:s7], [sflag:s22] =	dma.local [hbm:s5], s20  }
0x9e: {  	_ =	swait.ge [sflag:s22], s20  }
0x9f: {  	s4 =	ssub.s32 $0x0, s20;
	[sflag:s22] =	ssyncset.done $0x0  }
0xa0: {  	[sflag:s22] =	ssyncadd.s32 s4;
	_ =	sdelay $0x1  }
0xa1: {  	s23 =	simm.s32 $0x1B8B  }
0xa2: {  	_ =	swait.ge [sflag:s23], $0x1  }
0xa3: {  	[sflag:s23] =	ssyncset.done $0x0  }
0xa4: {  	s25 =	simm.s32 $0x1B8E;
	s24 =	sld [smem:$0x3FFE];
	[sflag:s23] =	ssyncadd.s32 $0xFFFFFFFF  }
0xa5: {  	s26 =	simm.s32 $execute0_lowered;
	[smem:$0x3FD2] =	sst s25  }
0xa6: {  	s5 =	sshll.u32 s26, $0x1;
	_ =	strace $0x80000046;
	[dreg:$0x1] =	wrdreg $0xFFFFFFFF  }
0xa7: {  	s28 =	simm.s32 $_size_execute0_lowered;
	s3 =	sadd.s32 s3, s5;
	[dreg:$0x0] =	wrdreg $0x0  }
0xa8: {  	s5 =	sshll.u32 s28, $0x1;
	[dreg:$0x2] =	wrdreg s3  }
0xa9: {  	[dreg:$0x3] =	wrdreg s5  }
0xaa: {  	[dreg:$0x4] =	wrdreg $0xC0  }
0xab: {  	_ =	task [dreg:s7], $0x5FFFF  }
0xac: {  	[dreg:$0x1] =	wrdreg $0xFFFFFFFF  }
0xad: {  	[dreg:$0x0] =	wrdreg $0x60  }
0xae: {  	[dreg:$0x2] =	wrdreg s24  }
0xaf: {  	[dreg:$0x3] =	wrdreg s2  }
0xb0: {  	[dreg:$0x4] =	wrdreg $0x0  }
0xb1: {  	[dreg:$0x5] =	wrdreg $0x9  }
0xb2: {  	_ =	task.clear_ibuf [dreg:s7], $0x6FFFF;
	_ =	strace $0x90000046  }
0xb3: {  	s29 =	simm.s32 $0x9;
	_ =	strace $0x80000048  }
0xb4: {  	_ =	swait.ge [sflag:s29], $0x1  }
0xb5: {  	[sflag:s29] =	ssyncadd.s32 $0xFFFFFFFF  }
0xb6: {  	_ =	strace $0x90000048  }
0xb7: {  	_ =	sfence  }
0xb8: {  	s30 =	sld [smem:$0x0];
	_ =	sdelay $0x2  }
0xb9: {  	s31 =	sshll.u32 s1, $0xD;
	s1 =	sshrl.u32 s1, $0x2  }
0xba: {  	s3 =	sand.u32 $0x4000, s31;
	s1 =	sadd.s32 s1, s30  }
0xbb: {  	s0 =	sor.u32 s3, s0;
	s1 =	sshll.u32 s1, $0x11  }
0xbc: {  	s0 =	sor.u32 s1, s0  }
0xbd: {  	s0 =	sadd.s32 $0x8F2B, s0  }
0xbe: {  	[sflag:s0] =	ssyncadd.remote.s32 $0x1  }
0xbf: {  	_ =	sfence.sel $0xFFFF  }
0xc0: {  	[dreg:$0x0] =	wrdreg $0xFFFFFFFF;
	(pc) =	sbr.abs _section_cstart, $3  }
0xc1: {  	[dreg:$0x1] =	wrdreg $0xFFFFFFFF  }
0xc2: {  	_ =	task.clear_ibuf [dreg:s7], $0x2FFFF;
	_ =	strace $0x9FFFFFFF  }
0xc3: {  	(tm) =	ssettm $0x7FFFFFFF  }
tec
execute0_lowered:
.L_overlay_start_1:
0x0: {  	(tag) =	ssettag $0x1  }
0x1: {  	s0 =	rddreg [dreg:$0x0]  }
0x2: {  	s1 =	srdreg.scid;
	s9 =	stileid.u32  }
0x3: {  	s10 =	rddreg [dreg:$0x1];
	s14 =	simm.s32 $0x80;
	s15 =	simm.s32 $0x4  }
0x4: {  	s16 =	simm.s32 $0x40;
	s17 =	simm.s32 $0x2;
	s18 =	simm.s32 $0x5  }
0x5: {  	s19 =	simm.s32 $0x6;
	s20 =	simm.s32 $0x0;
	s7 =	sand.u32 $0x1, s1  }
0x6: {  	s2 =	sshll.u32 s9, $0x1;
	s1 =	rddreg [dreg:$0x2];
	s8 =	smul.u32 $0x640000, s9  }
0x7: {  	s4 =	sadd.s32 $0x600, s0;
	s5 =	sadd.s32 $0x1A600, s0;
	s6 =	sadd.s32 $0x1600, s0  }
0x8: {  	p0 =	sne.s32 s9, $0x0;
	s3 =	sor.u32 s7, s2;
	s2 =	simm.s32 $0x0  }
0x9: {  	s11 =	smul.u32 $0x320000, s7;
	s30 =	ssub.s32 $0x2, s7;
	[smem:$0x7FF] =	sst s2  }
0xa: {  	s3 =	smul.u32 $0x6400, s3;
	s7 =	sshrl.u32 s30, $0x1;
	_ =	strace $0x80000047  }
0xb: {  	[dreg:$0x4] =	wrdreg s4;
	s8 =	sadd.s32 s11, s8;
	s0 =	ssub.s32 s30, s7  }
0xc: {  	s12 =	sshrl.u32 s3, $0x3;
	s11 =	sshrl.u32 s8, $0x3;
	s9 =	smax.u32 s0, $0x1  }
0xd: {  	s31 =	sadd.s32 s5, s12;
	s8 =	sadd.s32 s6, s12;
	s10 =	sadd.s32 s11, s10  }
0xe: {  	s11 =	sshrl.u32 @!p0 s1, $0x3;
	[dreg:$0x5] =	wrdreg s31;
	s10 =	sadd.s32 $0x8, s10  }
.LBB2_1:
0xf: {  	s0 =	simm.s32 @!p0 $0x1C01;
	s4 =	rddreg [dreg:$0x4]  }
0x10: {  	[spmem:s11], [sflag:s0] =	dma.local @!p0 [hbm:s4], $0xFA0  }
0x11: {  	s0 =	simm.s32 @!p0 $0x1  }
0x12: {  	_ =	swait.ge @!p0 [sflag:s0], $0xFA0  }
0x13: {  	[sflag:s0] =	ssyncset.done @!p0 $0x0  }
0x14: {  	[sflag:s0] =	ssyncadd.s32 @!p0 $0xFFFFF060  }
0x15: {  	[bflag:$0x0] =	sbarrier.arrive $0xFFFF  }
0x16: {  	s7 =	simm.s32 $0x7D0;
	s0 =	sand.u32 $0x1, s2;
	s4 =	rddreg [dreg:$0x5]  }
0x17: {  	[tilespmem:s7], [sflag:$0x2] =	stream.linear.gather [hbm4b:s4+s2], $0x100, $0x38;
	[tilespmem:$0x10BD0] =	vst v63  }
0x18: {  	s12 =	simm.s32 $0x9D0;
	s22 =	sor.u32 $0x2, s0  }
0x19: {  	[tilespmem:s12], [sflag:$0x2] =	stream.linear.gather [hbm4b:s8+s2], $0x100, $0x38;
	[tilespmem:$0x10BD0] =	vst v63  }
0x1a: {  	s21 =	simm.s32 $0x1;
	_ =	swait.ge [sflag:s22], $0x100  }
0x1b: {  	p1 =	por $0x1, $0x1;
	s23 =	smin.u32 s21, $0x63;
	[sflag:s22] =	ssyncset.done $0x0  }
0x1c: {  	s24 =	sand.u32 $0x1, s21;
	s23 =	sshll.u32 s23, $0x8;
	[sflag:s22] =	ssyncadd.s32 $0xFFFFFF00  }
0x1d: {  	s25 =	sshll.u32 s24, $0x8;
	s23 =	sadd.s32 s3, s23;
	_ =	swait.ge [sflag:s22], $0x100  }
0x1e: {  	s24 =	sor.u32 $0x2, s24;
	s23 =	sshrl.u32 s23, $0x3;
	[sflag:s22] =	ssyncset.done $0x0  }
0x1f: {  	s13 =	sadd.s32 $0x7D0, s25;
	s26 =	sadd.s32 s5, s23;
	[sflag:s22] =	ssyncadd.s32 $0xFFFFFF00  }
0x20: {  	[tilespmem:s13], [sflag:s24] =	stream.linear.gather [hbm4b:s26+s2], $0x100, $0x38;
	[tilespmem:$0x10BD0] =	vst v63  }
0x21: {  	s23 =	sadd.s32 s6, s23;
	s26 =	sadd.s32 $0x9D0, s25;
	s25 =	sadd.s32 @!p1 $0x5, s0  }
0x22: {  	[tilespmem:s26], [sflag:s24] =	stream.linear.gather [hbm4b:s23+s2], $0x100, $0x38;
	[tilespmem:$0x10BD0] =	vst v63  }
0x23: {  	_ =	swait.ge @!p1 [sflag:s25], $0x4000  }
0x24: {  	[sflag:s25] =	ssyncset.done @!p1 $0x0  }
0x25: {  	[sflag:s25] =	ssyncadd.s32 @!p1 $0xFFFFC000  }
0x26: {  	_ =	swait.ge @!p1 [sflag:s25], $0x4000  }
0x27: {  	s31 =	sshll.u32 s0, $0xE;
	s22 =	sshll.u32 s0, $0x8;
	[sflag:s25] =	ssyncset.done @!p1 $0x0  }
0x28: {  	s4 =	sadd.s32 $0x7D0, s22;
	[sflag:s25] =	ssyncadd.s32 @!p1 $0xFFFFC000;
	s25 =	sor.u32 $0xBD0, s31  }
0x29: {  	[tilespmem:s25], [sflag:$0x4] =	stream.indirect.gather [spmem:s1], $0x40, s4, s14, $0xb8;
	[tilespmem:$0x10BD0] =	vst v63  }
0x2a: {  	s30 =	sor.u32 $0x8BD0, s31;
	s7 =	sadd.s32 $0x9D0, s22  }
0x2b: {  	[tilespmem:s30], [sflag:$0x4] =	stream.indirect.gather [spmem:s1], $0x40, s7, s14, $0xb8;
	[tilespmem:$0x10BD0] =	vst v63  }
0x2c: {  	s12 =	sor.u32 $0x2BD0, s31;
	s13 =	sor.u32 $0x850, s22  }
0x2d: {  	[tilespmem:s12], [sflag:$0x4] =	stream.indirect.gather [spmem:s1], $0x40, s13, s14, $0xb8;
	[tilespmem:$0x10BD0] =	vst v63  }
0x2e: {  	s22 =	sor.u32 $0xA50, s22;
	s23 =	sor.u32 $0xABD0, s31  }
0x2f: {  	[tilespmem:s23], [sflag:$0x4] =	stream.indirect.gather [spmem:s1], $0x40, s22, s14, $0xb8;
	[tilespmem:$0x10BD0] =	vst v63  }
0x30: {  	_ =	swait.ge [sflag:s15], $0x2000  }
0x31: {  	[sflag:s15] =	ssyncset.done $0x0  }
0x32: {  	[sflag:s15] =	ssyncadd.s32 $0xFFFFE000  }
0x33: {  	_ =	swait.ge [sflag:s15], $0x2000  }
0x34: {  	[sflag:s15] =	ssyncset.done $0x0  }
0x35: {  	[sflag:s15] =	ssyncadd.s32 $0xFFFFE000  }
0x36: {  	_ =	swait.ge [sflag:s15], $0x2000  }
0x37: {  	s29 =	smov.u32 s10;
	[sflag:s15] =	ssyncset.done $0x0  }
0x38: {  	s0 =	sadd.s32 $0x5, s0;
	s24 =	simm.s32 $0x2;
	[sflag:s15] =	ssyncadd.s32 $0xFFFFE000  }
0x39: {  	s26 =	smin.u32 s24, $0x63;
	s28 =	sand.u32 $0x1, s24;
	_ =	swait.ge [sflag:s15], $0x2000  }
0x3a: {  	s31 =	sadd.s32 $0xFFFFFFF8, s10;
	s22 =	sshll.u32 s26, $0x8;
	[sflag:s15] =	ssyncset.done $0x0  }
0x3b: {  	s23 =	sand.u32 $0x1, s21;
	s22 =	sadd.s32 s3, s22;
	[sflag:s15] =	ssyncadd.s32 $0xFFFFE000  }
0x3c: {  	[hbm4b:s31+s16] =	stream.strided.scatter [tilespmem:s25], [sflag:s0], $0x4000, s14, s16, $0x38;
	[tilespmem:$0x10BD0] =	vst v63  }
0x3d: {  	s26 =	sshrl.u32 s22, $0x3;
	s22 =	sadd.s32 $0x1000, s10;
	s25 =	sshll.u32 s28, $0x8  }
.LBB2_2:
0x3e: {  	s12 =	sor.u32 $0x2, s23  }
0x3f: {  	s31 =	sshll.u32 s23, $0x8;
	s13 =	smov.u32 s24;
	s24 =	sadd.s32 $0x1, s24  }
0x40: {  	[hbm4b:s29+s16] =	stream.strided.scatter [tilespmem:s30], [sflag:s0], $0x4000, s14, s16, $0x38;
	[tilespmem:$0x10BD0] =	vst v63  }
0x41: {  	s0 =	sand.u32 $0x1, s24;
	s29 =	smin.u32 s24, $0x63;
	_ =	swait.ge [sflag:s12], $0x100  }
0x42: {  	s30 =	sshll.u32 s0, $0x8;
	s29 =	sshll.u32 s29, $0x8;
	[sflag:s12] =	ssyncset.done $0x0  }
0x43: {  	p1 =	sne.s32 s24, $0x64;
	s29 =	sadd.s32 s3, s29;
	[sflag:s12] =	ssyncadd.s32 $0xFFFFFF00  }
0x44: {  	s4 =	sshrl.u32 s29, $0x3;
	s29 =	smov.u32 s22;
	_ =	swait.ge [sflag:s12], $0x100  }
0x45: {  	s28 =	sor.u32 $0x2, s28;
	p2 =	slt.u32 s21, $0x2;
	[sflag:s12] =	ssyncset.done $0x0  }
0x46: {  	s21 =	sadd.s32 s5, s26;
	[sflag:s12] =	ssyncadd.s32 $0xFFFFFF00;
	s12 =	sadd.s32 $0x7D0, s25  }
0x47: {  	[tilespmem:s12], [sflag:s28] =	stream.linear.gather [hbm4b:s21+s2], $0x100, $0x38;
	[tilespmem:$0x10BD0] =	vst v63  }
0x48: {  	s7 =	sadd.s32 @!p2 $0x5, s23;
	s12 =	sadd.s32 $0x9D0, s25;
	s21 =	sadd.s32 s6, s26  }
0x49: {  	[tilespmem:s12], [sflag:s28] =	stream.linear.gather [hbm4b:s21+s2], $0x100, $0x38;
	[tilespmem:$0x10BD0] =	vst v63  }
0x4a: {  	s21 =	smov.u32 s13;
	s28 =	smov.u32 s0;
	_ =	swait.ge @!p2 [sflag:s7], $0x4000  }
0x4b: {  	s25 =	smov.u32 s30;
	s26 =	smov.u32 s4;
	[sflag:s7] =	ssyncset.done @!p2 $0x0  }
0x4c: {  	[sflag:s7] =	ssyncadd.s32 @!p2 $0xFFFFC000  }
0x4d: {  	_ =	swait.ge @!p2 [sflag:s7], $0x4000  }
0x4e: {  	s0 =	sshll.u32 s23, $0xE;
	[sflag:s7] =	ssyncset.done @!p2 $0x0  }
0x4f: {  	s4 =	sor.u32 $0xBD0, s0;
	[sflag:s7] =	ssyncadd.s32 @!p2 $0xFFFFC000;
	s7 =	sadd.s32 $0x7D0, s31  }
0x50: {  	[tilespmem:s4], [sflag:$0x4] =	stream.indirect.gather [spmem:s1], $0x40, s7, s14, $0xb8;
	[tilespmem:$0x10BD0] =	vst v63  }
0x51: {  	s30 =	sor.u32 $0x8BD0, s0;
	s7 =	sadd.s32 $0x9D0, s31  }
0x52: {  	[tilespmem:s30], [sflag:$0x4] =	stream.indirect.gather [spmem:s1], $0x40, s7, s14, $0xb8;
	[tilespmem:$0x10BD0] =	vst v63  }
0x53: {  	s12 =	sor.u32 $0x850, s31;
	s7 =	sor.u32 $0x2BD0, s0  }
0x54: {  	[tilespmem:s7], [sflag:$0x4] =	stream.indirect.gather [spmem:s1], $0x40, s12, s14, $0xb8;
	[tilespmem:$0x10BD0] =	vst v63  }
0x55: {  	s0 =	sor.u32 $0xABD0, s0;
	s7 =	sor.u32 $0xA50, s31  }
0x56: {  	[tilespmem:s0], [sflag:$0x4] =	stream.indirect.gather [spmem:s1], $0x40, s7, s14, $0xb8;
	[tilespmem:$0x10BD0] =	vst v63  }
0x57: {  	_ =	swait.ge [sflag:s15], $0x2000  }
0x58: {  	[sflag:s15] =	ssyncset.done $0x0  }
0x59: {  	[sflag:s15] =	ssyncadd.s32 $0xFFFFE000  }
0x5a: {  	_ =	swait.ge [sflag:s15], $0x2000  }
0x5b: {  	[sflag:s15] =	ssyncset.done $0x0  }
0x5c: {  	[sflag:s15] =	ssyncadd.s32 $0xFFFFE000  }
0x5d: {  	_ =	swait.ge [sflag:s15], $0x2000  }
0x5e: {  	[sflag:s15] =	ssyncset.done $0x0  }
.Ltmp0:
0x5f: {  	[sflag:s15] =	ssyncadd.s32 $0xFFFFE000;
	(pc) =	sbr.rel @p1 .LBB2_2-.Ltmp0, $4  }
0x60: {  	_ =	swait.ge [sflag:s15], $0x2000  }
0x61: {  	s22 =	sadd.s32 $0x1000, s22;
	s7 =	sadd.s32 $0xFFFFFFF8, s29;
	[sflag:s15] =	ssyncset.done $0x0  }
0x62: {  	s0 =	sadd.s32 $0x5, s23;
	s23 =	sand.u32 $0x1, s21;
	[sflag:s15] =	ssyncadd.s32 $0xFFFFE000  }
0x63: {  	[hbm4b:s7+s16] =	stream.strided.scatter [tilespmem:s4], [sflag:s0], $0x4000, s14, s16, $0x38;
	[tilespmem:$0x10BD0] =	vst v63  }
0x64: {  	s4 =	sor.u32 $0x2, s23  }
0x65: {  	[hbm4b:s29+s16] =	stream.strided.scatter [tilespmem:s30], [sflag:s0], $0x4000, s14, s16, $0x38;
	[tilespmem:$0x10BD0] =	vst v63  }
0x66: {  	_ =	swait.ge [sflag:s4], $0x100  }
0x67: {  	[sflag:s4] =	ssyncset.done $0x0  }
0x68: {  	[sflag:s4] =	ssyncadd.s32 $0xFFFFFF00  }
0x69: {  	_ =	swait.ge [sflag:s4], $0x100  }
0x6a: {  	s24 =	sor.u32 $0x2, s28;
	p1 =	slt.u32 s21, $0x2;
	[sflag:s4] =	ssyncset.done $0x0  }
0x6b: {  	s28 =	sadd.s32 $0x7D0, s25;
	s7 =	sadd.s32 s5, s26;
	[sflag:s4] =	ssyncadd.s32 $0xFFFFFF00  }
0x6c: {  	[tilespmem:s28], [sflag:s24] =	stream.linear.gather [hbm4b:s7+s2], $0x100, $0x38;
	[tilespmem:$0x10BD0] =	vst v63  }
0x6d: {  	s29 =	sadd.s32 $0x9D0, s25;
	s30 =	sadd.s32 s6, s26;
	s12 =	sadd.s32 @!p1 $0x5, s23  }
0x6e: {  	[tilespmem:s29], [sflag:s24] =	stream.linear.gather [hbm4b:s30+s2], $0x100, $0x38;
	[tilespmem:$0x10BD0] =	vst v63  }
0x6f: {  	_ =	swait.ge @!p1 [sflag:s12], $0x4000  }
0x70: {  	[sflag:s12] =	ssyncset.done @!p1 $0x0  }
0x71: {  	[sflag:s12] =	ssyncadd.s32 @!p1 $0xFFFFC000  }
0x72: {  	_ =	swait.ge @!p1 [sflag:s12], $0x4000  }
0x73: {  	s31 =	sshll.u32 s23, $0x8;
	s7 =	sshll.u32 s23, $0xE;
	[sflag:s12] =	ssyncset.done @!p1 $0x0  }
0x74: {  	s25 =	sadd.s32 $0x7D0, s31;
	s24 =	sor.u32 $0xBD0, s7;
	[sflag:s12] =	ssyncadd.s32 @!p1 $0xFFFFC000  }
0x75: {  	[tilespmem:s24], [sflag:$0x4] =	stream.indirect.gather [spmem:s1], $0x40, s25, s14, $0xb8;
	[tilespmem:$0x10BD0] =	vst v63  }
0x76: {  	s13 =	sadd.s32 $0x9D0, s31;
	s26 =	sor.u32 $0x8BD0, s7  }
0x77: {  	[tilespmem:s26], [sflag:$0x4] =	stream.indirect.gather [spmem:s1], $0x40, s13, s14, $0xb8;
	[tilespmem:$0x10BD0] =	vst v63  }
0x78: {  	s28 =	sor.u32 $0x2BD0, s7;
	s29 =	sor.u32 $0x850, s31  }
0x79: {  	[tilespmem:s28], [sflag:$0x4] =	stream.indirect.gather [spmem:s1], $0x40, s29, s14, $0xb8;
	[tilespmem:$0x10BD0] =	vst v63  }
0x7a: {  	s0 =	sor.u32 $0xA50, s31;
	s4 =	sor.u32 $0xABD0, s7  }
0x7b: {  	[tilespmem:s4], [sflag:$0x4] =	stream.indirect.gather [spmem:s1], $0x40, s0, s14, $0xb8;
	[tilespmem:$0x10BD0] =	vst v63  }
0x7c: {  	_ =	swait.ge [sflag:s15], $0x2000  }
0x7d: {  	[sflag:s15] =	ssyncset.done $0x0  }
0x7e: {  	[sflag:s15] =	ssyncadd.s32 $0xFFFFE000  }
0x7f: {  	_ =	swait.ge [sflag:s15], $0x2000  }
0x80: {  	[sflag:s15] =	ssyncset.done $0x0  }
0x81: {  	[sflag:s15] =	ssyncadd.s32 $0xFFFFE000  }
0x82: {  	_ =	swait.ge [sflag:s15], $0x2000  }
0x83: {  	[sflag:s15] =	ssyncset.done $0x0  }
0x84: {  	[sflag:s15] =	ssyncadd.s32 $0xFFFFE000  }
0x85: {  	_ =	swait.ge [sflag:s15], $0x2000  }
0x86: {  	[sflag:s15] =	ssyncset.done $0x0  }
0x87: {  	s30 =	sadd.s32 $0xFFFFFFF8, s22;
	s31 =	sadd.s32 $0x5, s23;
	[sflag:s15] =	ssyncadd.s32 $0xFFFFE000  }
0x88: {  	[hbm4b:s30+s16] =	stream.strided.scatter [tilespmem:s24], [sflag:s31], $0x4000, s14, s16, $0x38;
	[tilespmem:$0x10BD0] =	vst v63  }
0x89: {  	_ = 	snop  }
0x8a: {  	[hbm4b:s22+s16] =	stream.strided.scatter [tilespmem:s26], [sflag:s31], $0x4000, s14, s16, $0x38;
	[tilespmem:$0x10BD0] =	vst v63  }
0x8b: {  	_ =	swait.ge [sflag:s17], $0x100  }
0x8c: {  	[sflag:s17] =	ssyncset.done $0x0  }
0x8d: {  	[sflag:s17] =	ssyncadd.s32 $0xFFFFFF00  }
0x8e: {  	_ =	swait.ge [sflag:s17], $0x100  }
0x8f: {  	[sflag:s17] =	ssyncset.done $0x0  }
0x90: {  	[sflag:s17] =	ssyncadd.s32 $0xFFFFFF00  }
0x91: {  	_ =	swait.ge [sflag:s18], $0x4000  }
0x92: {  	[sflag:s18] =	ssyncset.done $0x0  }
0x93: {  	[sflag:s18] =	ssyncadd.s32 $0xFFFFC000  }
0x94: {  	_ =	swait.ge [sflag:s18], $0x4000  }
0x95: {  	[sflag:s18] =	ssyncset.done $0x0  }
0x96: {  	s20 =	sadd.s32 $0x1, s20;
	[sflag:s18] =	ssyncadd.s32 $0xFFFFC000  }
0x97: {  	p1 =	sne.s32 s20, s9;
	_ =	swait.ge [sflag:s19], $0x4000  }
.Ltmp1:
0x98: {  	[sflag:s19] =	ssyncset.done $0x0;
	(pc) =	sbr.rel @p1 .LBB2_1-.Ltmp1, $4  }
0x99: {  	[sflag:s19] =	ssyncadd.s32 $0xFFFFC000  }
0x9a: {  	_ =	swait.ge [sflag:s19], $0x4000  }
0x9b: {  	[sflag:s19] =	ssyncset.done $0x0  }
0x9c: {  	[sflag:s19] =	ssyncadd.s32 $0xFFFFC000  }
0x9d: {  	_ =	sfence.sel $0x180000  }
0x9e: {  	[bflag:$0x0] =	sbarrier.arrive $0xFFFF  }
0x9f: {  	_ =	strace $0x90000047  }
0xa0: {  	[bflag:$0x2] =	sbarrier.arrive $0xFFFF  }
0xa1: {  	s0 =	rddreg [dreg:$0x3]  }
0xa2: {  	s0 =	sadd.s32 @!p0 $0x100000, s0  }
0xa3: {  	[sflag:s0] =	ssyncadd.tile.s32 @!p0 $0x1;
	_ =	shalt  }
.Lfunc_end2:
_tile_overlayer_lowered:
.L_overlay_start_2:
0xa4: {  	(tag) =	ssettag $0x2  }
0xa5: {  	s0 =	rddreg [dreg:$0x0];
	s2 =	stileid.u32  }
0xa6: {  	s1 =	rddreg [dreg:$0x1];
	p0 =	sne.s32 s2, $0x0  }
0xa7: {  	s3 =	rddreg [dreg:$0x2];
	[bflag:$0x3] =	sbarrier.arrive $0xFFFF;
	s2 =	simm.s32 @!p0 $0x1C07  }
0xa8: {  	[timem:s3], [sflag:s2] =	dma.local @!p0 [hbm:s0], s1  }
0xa9: {  	s0 =	simm.s32 @!p0 $0x7  }
0xaa: {  	_ =	swait.ge @!p0 [sflag:s0], s1  }
0xab: {  	s1 =	ssub.s32 @!p0 $0x0, s1;
	[sflag:s0] =	ssyncset.done @!p0 $0x0  }
0xac: {  	[sflag:s0] =	ssyncadd.s32 @!p0 s1  }
0xad: {  	[bflag:$0x3] =	sbarrier.arrive $0xFFFF  }
0xae: {  	_ =	shalt  }

</sc_bundles>
